<compile_context>
chip_gen: v7x
topology: tpu7x:2x2x1
jax: 0.10.2.dev20260603
libtpu: 0.0.44.dev20260713+nightly
codegen_flags: <defaults>
</compile_context>

<pallas_src>
import functools

import jax
import jax.numpy as jnp
from jax import lax
from jax.experimental import pallas as pl
from jax.experimental.pallas import tpu as pltpu
from jax.experimental.pallas import tpu_sc as plsc

N = 10000
D = 128
E = 320000
NC = 2
NS = 16
NW = NC * NS
NP = 10240
EPW = E // NW
CH = 125
NCHUNK = EPW // CH
RPS = NP // NS
RB = 2048
L = 16

_sc_mesh = plsc.VectorSubcoreMesh(core_axis_name="c", subcore_axis_name="s")


@functools.partial(
    pl.kernel,
    out_type=jax.ShapeDtypeStruct((NW, NP), jnp.float32),
    mesh=_sc_mesh,
    scratch_types=[
        pltpu.VMEM((EPW,), jnp.int32),
        pltpu.VMEM((NP,), jnp.float32),
    ],
    compiler_params=pltpu.CompilerParams(needs_layout_passes=False),
)
def _deg_kernel(dst2, deg_out, dst_v, deg_priv):
    c = lax.axis_index("c")
    s = lax.axis_index("s")
    w = s * NC + c

    def zbody(j, carry):
        deg_priv[pl.ds(j * L, L)] = jnp.zeros((L,), jnp.float32)
        return carry

    lax.fori_loop(0, NP // L, zbody, 0)
    pltpu.sync_copy(dst2.at[w], dst_v)
    ones = jnp.ones((L,), jnp.float32)

    def body(j, carry):
        idx = dst_v[pl.ds(j * L, L)]
        plsc.addupdate_scatter(deg_priv, [idx], ones)
        return carry

    lax.fori_loop(0, EPW // L, body, 0)
    pltpu.sync_copy(deg_priv, deg_out.at[w])


NA = 10112
RWB = NA // NS


@functools.partial(
    pl.kernel,
    out_type=jax.ShapeDtypeStruct((NC, NP, D), jnp.float32),
    mesh=_sc_mesh,
    scratch_types=[
        pltpu.VMEM((2, NCHUNK // 2, CH), jnp.int32),
        pltpu.VMEM((2, CH, D), jnp.float32),
        pltpu.VMEM_SHARED((NA, D), jnp.float32),
        pltpu.SemaphoreType.DMA,
    ],
)
def _aggr_kernel(y_hbm, src3, dst3, acc_out, sd_v,
                 rows_v, acc_sh, gsem):
    c = lax.axis_index("c")
    s = lax.axis_index("s")
    w = s * NC + c
    nh = NCHUNK // 2

    def zbody(r, carry):
        for k in range(D // L):
            rows_v[0, r, pl.ds(k * L, L)] = jnp.zeros((L,), jnp.float32)
        return carry

    lax.fori_loop(0, 104, zbody, 0)
    for k in range(6):
        pltpu.sync_copy(rows_v.at[0, pl.ds(0, 104)],
                        acc_sh.at[pl.ds(s * RWB + k * 104, 104)])
    pltpu.sync_copy(rows_v.at[0, pl.ds(0, 8)],
                    acc_sh.at[pl.ds(s * RWB + 624, 8)])
    plsc.subcore_barrier()

    for half in range(2):
        pltpu.sync_copy(src3.at[w, pl.ds(half * nh, nh)], sd_v.at[0])
        pltpu.sync_copy(dst3.at[w, pl.ds(half * nh, nh)], sd_v.at[1])
        pltpu.async_copy(y_hbm.at[sd_v.at[0, 0]], rows_v.at[0], gsem)

        def body(j, carry):
            b = lax.rem(j, 2)
            pltpu.make_async_copy(
                y_hbm.at[sd_v.at[0, j]], rows_v.at[b], gsem).wait()

            @pl.when(j + 1 < nh)
            def _():
                pltpu.async_copy(
                    y_hbm.at[sd_v.at[0, j + 1]], rows_v.at[1 - b], gsem)

            pltpu.sync_copy(rows_v.at[b], acc_sh.at[sd_v.at[1, j]],
                            add=True)
            return carry

        lax.fori_loop(0, nh, body, 0)

    plsc.subcore_barrier()
    pltpu.sync_copy(acc_sh.at[pl.ds(s * RWB, RWB)],
                    acc_out.at[c, pl.ds(s * RWB, RWB)])


def _scale_body(x_ref, w_ref, dp_ref, y_ref, dis_ref):
    deg = jnp.sum(dp_ref[...], axis=0) + 1.0
    dis = lax.rsqrt(deg)[:, None]
    xw = jnp.dot(x_ref[...], w_ref[...], preferred_element_type=jnp.float32)
    y_ref[...] = xw * dis
    dis_ref[...] = dis


def _combine_body(ap_ref, y_ref, dis_ref, b_ref, o_ref):
    o_ref[...] = dis_ref[...] * (ap_ref[0] + ap_ref[1] + y_ref[...]) + b_ref[...]


def kernel(x, edge_index, edge_attr, W, b):
    del edge_attr
    src3 = edge_index[0].reshape(NW, NCHUNK, CH)
    dst3 = edge_index[1].reshape(NW, NCHUNK, CH)
    dst2 = edge_index[1].reshape(NW, EPW)
    x_pad = jnp.pad(x, ((0, NP - N), (0, 0)))

    deg_parts = _deg_kernel(dst2)

    y, dis = pl.pallas_call(
        _scale_body,
        grid=(NP // RB,),
        in_specs=[
            pl.BlockSpec((RB, D), lambda j: (j, 0)),
            pl.BlockSpec((D, D), lambda j: (0, 0)),
            pl.BlockSpec((NW, RB), lambda j: (0, j)),
        ],
        out_specs=[
            pl.BlockSpec((RB, D), lambda j: (j, 0)),
            pl.BlockSpec((RB, 1), lambda j: (j, 0)),
        ],
        out_shape=[
            jax.ShapeDtypeStruct((NP, D), jnp.float32),
            jax.ShapeDtypeStruct((NP, 1), jnp.float32),
        ],
    )(x_pad, W, deg_parts)

    acc_parts = _aggr_kernel(y, src3, dst3)

    out = pl.pallas_call(
        _combine_body,
        grid=(NP // RB,),
        in_specs=[
            pl.BlockSpec((NC, RB, D), lambda j: (0, j, 0)),
            pl.BlockSpec((RB, D), lambda j: (j, 0)),
            pl.BlockSpec((RB, 1), lambda j: (j, 0)),
            pl.BlockSpec((1, D), lambda j: (0, 0)),
        ],
        out_specs=pl.BlockSpec((RB, D), lambda j: (j, 0)),
        out_shape=jax.ShapeDtypeStruct((NP, D), jnp.float32),
    )(acc_parts, y, dis, b.reshape(1, D))
    return out[:N]

# --- scband reference (transcript-rebuilt; emitter-appended) ---
"""Pipeline reference for scband-node-model-aggr-by-edge-62766652064043 (READ-ONLY COPY).

The authoritative reference and input builder live on the scoring server;
editing this copy changes nothing except your own understanding.
"""

import jax, jax.numpy as jnp
import numpy as np

N = 10000
E = 320000
D_IN = 128
D_OUT = 128
D_EDGE = 4
NUM_EDGE_TYPES = 2  # -> num_edge_types - 1 = 1 GCN layer / edge-type graph


def setup_inputs(seed: int = 0):
    key = jax.random.key(seed)
    k1, k2, k3, k4 = jax.random.split(key, 4)
    x = jax.random.normal(k1, (N, D_IN), dtype=jnp.float32)
    edge_index = jax.random.randint(k2, (2, E), 0, N, dtype=jnp.int32)
    edge_attr = jax.random.normal(k3, (E, D_EDGE), dtype=jnp.float32)
    # GCNConv learned params (one conv per edge type; num_edge_types-1 = 1)
    W = jax.random.normal(k4, (D_IN, D_OUT), dtype=jnp.float32) * (1.0 / np.sqrt(D_IN))
    b = jnp.zeros((D_OUT,), dtype=jnp.float32)
    return {"x": x, "edge_index": edge_index, "edge_attr": edge_attr, "W": W, "b": b}


def gcn_conv(x, edge_index, W, b):
    # Faithful GCNConv: out = D^{-1/2} (A + I) D^{-1/2} X W + b
    n = x.shape[0]
    src = edge_index[0]
    dst = edge_index[1]
    loop = jnp.arange(n, dtype=src.dtype)
    src = jnp.concatenate([src, loop], axis=0)
    dst = jnp.concatenate([dst, loop], axis=0)
    deg = jnp.zeros((n,), dtype=x.dtype).at[dst].add(1.0)
    deg_inv_sqrt = jnp.where(deg > 0, 1.0 / jnp.sqrt(deg), 0.0)
    norm = deg_inv_sqrt[src] * deg_inv_sqrt[dst]
    xw = x @ W
    msg = xw[src] * norm[:, None]
    out = jnp.zeros((n, W.shape[1]), dtype=x.dtype).at[dst].add(msg)
    return out + b


def reference(x, edge_index, edge_attr, W, b):
    # NodeModelAggrByEdge.forward: accumulate one GCNConv per higher-level edge type.
    # With num_edge_types=2 there is exactly one edge-type graph, taken as edge_index.
    outs = jnp.zeros((x.shape[0], D_OUT), dtype=x.dtype)
    edge_type_graphs = [edge_index]
    for ei in edge_type_graphs:
        outs = outs + gcn_conv(x, ei, W, b)
    return outs

if __name__ == "__main__":
    import jax
    _d = setup_inputs()
    print(jax.jit(kernel)(*tuple(_d.values())))

</pallas_src>

<mosaic_0001>
#map = affine_map<(d0, d1) -> (0, 0)>
#map1 = affine_map<(d0, d1) -> (0, 0, 0)>
module attributes {stable_mosaic.version = 14 : i64} {
  func.func @_aggr_kernel(%arg0: i32, %arg1: i32, %arg2: memref<10240x128xf32, #tpu.memory_space<hbm>>, %arg3: memref<32x80x125xi32, #tpu.memory_space<hbm>>, %arg4: memref<32x80x125xi32, #tpu.memory_space<hbm>>, %arg5: memref<2x10240x128xf32, #tpu.memory_space<hbm>>, %arg6: memref<2x40x125xi32, #tpu.memory_space<vmem>>, %arg7: memref<2x125x128xf32, #tpu.memory_space<vmem>>, %arg8: memref<10112x128xf32, #tpu.memory_space<vmem_shared>>, %arg9: memref<!tpu.dma_semaphore, #tpu.memory_space<semaphore_mem>>) attributes {dimension_semantics = [#tpu.dimension_semantics<core_parallel>, #tpu.dimension_semantics<subcore_parallel>], iteration_bounds = array<i64: 2, 16>, scalar_prefetch = 0 : i64, scratch_operands = 4 : i64, tpu.core_type = #tpu.core_type<sc_vector_subcore>, window_params = [{transform_indices = #map}, {transform_indices = #map1}, {transform_indices = #map1}, {transform_indices = #map1}]} {
    %mul3A = arith.constant 2 : i32
    %mul3A_0 = arith.muli %arg1, %mul3A : i32
    %add3A = arith.addi %mul3A_0, %arg0 : i32
    %scan3A = arith.constant 0 : i32
    %scan3A_1 = arith.constant 0 : i32
    %scan3A_2 = arith.constant 104 : i32
    %scan3A_3 = arith.addi %scan3A_1, %scan3A_2 : i32
    %scan3A_4 = arith.constant 1 : i32
    scf.for %scan3A_86 = %scan3A_1 to %scan3A_3 step %scan3A_4  : i32 {
      %broadcast_in_dim3A = arith.constant 0.000000e+00 : f32
      %broadcast_in_dim3A_87 = vector.broadcast %broadcast_in_dim3A : f32 to vector<16xf32>
      %swap3A = arith.constant 0 : i32
      %swap3A_88 = arith.index_cast %swap3A : i32 to index
      %swap3A_89 = arith.index_cast %scan3A_86 : i32 to index
      %swap3A_90 = arith.constant 0 : index
      %swap3A_91 = tpu.vector_load %arg7[%swap3A_88, %swap3A_89, %swap3A_90] {strides = array<i32>} : memref<2x125x128xf32, #tpu.memory_space<vmem>>, vector<1x1x16xf32>,
      %swap3A_92 = vector.shape_cast %swap3A_91 : vector<1x1x16xf32> to vector<16xf32>
      %swap3A_93 = vector.shape_cast %broadcast_in_dim3A_87 : vector<16xf32> to vector<1x1x16xf32>
      tpu.vector_store %arg7[%swap3A_88, %swap3A_89, %swap3A_90], %swap3A_93 {strides = array<i32>} : memref<2x125x128xf32, #tpu.memory_space<vmem>>, vector<1x1x16xf32>,
      %broadcast_in_dim3A_94 = arith.constant 0.000000e+00 : f32
      %broadcast_in_dim3A_95 = vector.broadcast %broadcast_in_dim3A_94 : f32 to vector<16xf32>
      %swap3A_96 = arith.constant 0 : i32
      %swap3A_97 = arith.index_cast %swap3A_96 : i32 to index
      %swap3A_98 = arith.index_cast %scan3A_86 : i32 to index
      %swap3A_99 = arith.constant 16 : index
      %swap3A_100 = tpu.vector_load %arg7[%swap3A_97, %swap3A_98, %swap3A_99] {strides = array<i32>} : memref<2x125x128xf32, #tpu.memory_space<vmem>>, vector<1x1x16xf32>,
      %swap3A_101 = vector.shape_cast %swap3A_100 : vector<1x1x16xf32> to vector<16xf32>
      %swap3A_102 = vector.shape_cast %broadcast_in_dim3A_95 : vector<16xf32> to vector<1x1x16xf32>
      tpu.vector_store %arg7[%swap3A_97, %swap3A_98, %swap3A_99], %swap3A_102 {strides = array<i32>} : memref<2x125x128xf32, #tpu.memory_space<vmem>>, vector<1x1x16xf32>,
      %broadcast_in_dim3A_103 = arith.constant 0.000000e+00 : f32
      %broadcast_in_dim3A_104 = vector.broadcast %broadcast_in_dim3A_103 : f32 to vector<16xf32>
      %swap3A_105 = arith.constant 0 : i32
      %swap3A_106 = arith.index_cast %swap3A_105 : i32 to index
      %swap3A_107 = arith.index_cast %scan3A_86 : i32 to index
      %swap3A_108 = arith.constant 32 : index
      %swap3A_109 = tpu.vector_load %arg7[%swap3A_106, %swap3A_107, %swap3A_108] {strides = array<i32>} : memref<2x125x128xf32, #tpu.memory_space<vmem>>, vector<1x1x16xf32>,
      %swap3A_110 = vector.shape_cast %swap3A_109 : vector<1x1x16xf32> to vector<16xf32>
      %swap3A_111 = vector.shape_cast %broadcast_in_dim3A_104 : vector<16xf32> to vector<1x1x16xf32>
      tpu.vector_store %arg7[%swap3A_106, %swap3A_107, %swap3A_108], %swap3A_111 {strides = array<i32>} : memref<2x125x128xf32, #tpu.memory_space<vmem>>, vector<1x1x16xf32>,
      %broadcast_in_dim3A_112 = arith.constant 0.000000e+00 : f32
      %broadcast_in_dim3A_113 = vector.broadcast %broadcast_in_dim3A_112 : f32 to vector<16xf32>
      %swap3A_114 = arith.constant 0 : i32
      %swap3A_115 = arith.index_cast %swap3A_114 : i32 to index
      %swap3A_116 = arith.index_cast %scan3A_86 : i32 to index
      %swap3A_117 = arith.constant 48 : index
      %swap3A_118 = tpu.vector_load %arg7[%swap3A_115, %swap3A_116, %swap3A_117] {strides = array<i32>} : memref<2x125x128xf32, #tpu.memory_space<vmem>>, vector<1x1x16xf32>,
      %swap3A_119 = vector.shape_cast %swap3A_118 : vector<1x1x16xf32> to vector<16xf32>
      %swap3A_120 = vector.shape_cast %broadcast_in_dim3A_113 : vector<16xf32> to vector<1x1x16xf32>
      tpu.vector_store %arg7[%swap3A_115, %swap3A_116, %swap3A_117], %swap3A_120 {strides = array<i32>} : memref<2x125x128xf32, #tpu.memory_space<vmem>>, vector<1x1x16xf32>,
      %broadcast_in_dim3A_121 = arith.constant 0.000000e+00 : f32
      %broadcast_in_dim3A_122 = vector.broadcast %broadcast_in_dim3A_121 : f32 to vector<16xf32>
      %swap3A_123 = arith.constant 0 : i32
      %swap3A_124 = arith.index_cast %swap3A_123 : i32 to index
      %swap3A_125 = arith.index_cast %scan3A_86 : i32 to index
      %swap3A_126 = arith.constant 64 : index
      %swap3A_127 = tpu.vector_load %arg7[%swap3A_124, %swap3A_125, %swap3A_126] {strides = array<i32>} : memref<2x125x128xf32, #tpu.memory_space<vmem>>, vector<1x1x16xf32>,
      %swap3A_128 = vector.shape_cast %swap3A_127 : vector<1x1x16xf32> to vector<16xf32>
      %swap3A_129 = vector.shape_cast %broadcast_in_dim3A_122 : vector<16xf32> to vector<1x1x16xf32>
      tpu.vector_store %arg7[%swap3A_124, %swap3A_125, %swap3A_126], %swap3A_129 {strides = array<i32>} : memref<2x125x128xf32, #tpu.memory_space<vmem>>, vector<1x1x16xf32>,
      %broadcast_in_dim3A_130 = arith.constant 0.000000e+00 : f32
      %broadcast_in_dim3A_131 = vector.broadcast %broadcast_in_dim3A_130 : f32 to vector<16xf32>
      %swap3A_132 = arith.constant 0 : i32
      %swap3A_133 = arith.index_cast %swap3A_132 : i32 to index
      %swap3A_134 = arith.index_cast %scan3A_86 : i32 to index
      %swap3A_135 = arith.constant 80 : index
      %swap3A_136 = tpu.vector_load %arg7[%swap3A_133, %swap3A_134, %swap3A_135] {strides = array<i32>} : memref<2x125x128xf32, #tpu.memory_space<vmem>>, vector<1x1x16xf32>,
      %swap3A_137 = vector.shape_cast %swap3A_136 : vector<1x1x16xf32> to vector<16xf32>
      %swap3A_138 = vector.shape_cast %broadcast_in_dim3A_131 : vector<16xf32> to vector<1x1x16xf32>
      tpu.vector_store %arg7[%swap3A_133, %swap3A_134, %swap3A_135], %swap3A_138 {strides = array<i32>} : memref<2x125x128xf32, #tpu.memory_space<vmem>>, vector<1x1x16xf32>,
      %broadcast_in_dim3A_139 = arith.constant 0.000000e+00 : f32
      %broadcast_in_dim3A_140 = vector.broadcast %broadcast_in_dim3A_139 : f32 to vector<16xf32>
      %swap3A_141 = arith.constant 0 : i32
      %swap3A_142 = arith.index_cast %swap3A_141 : i32 to index
      %swap3A_143 = arith.index_cast %scan3A_86 : i32 to index
      %swap3A_144 = arith.constant 96 : index
      %swap3A_145 = tpu.vector_load %arg7[%swap3A_142, %swap3A_143, %swap3A_144] {strides = array<i32>} : memref<2x125x128xf32, #tpu.memory_space<vmem>>, vector<1x1x16xf32>,
      %swap3A_146 = vector.shape_cast %swap3A_145 : vector<1x1x16xf32> to vector<16xf32>
      %swap3A_147 = vector.shape_cast %broadcast_in_dim3A_140 : vector<16xf32> to vector<1x1x16xf32>
      tpu.vector_store %arg7[%swap3A_142, %swap3A_143, %swap3A_144], %swap3A_147 {strides = array<i32>} : memref<2x125x128xf32, #tpu.memory_space<vmem>>, vector<1x1x16xf32>,
      %broadcast_in_dim3A_148 = arith.constant 0.000000e+00 : f32
      %broadcast_in_dim3A_149 = vector.broadcast %broadcast_in_dim3A_148 : f32 to vector<16xf32>
      %swap3A_150 = arith.constant 0 : i32
      %swap3A_151 = arith.index_cast %swap3A_150 : i32 to index
      %swap3A_152 = arith.index_cast %scan3A_86 : i32 to index
      %swap3A_153 = arith.constant 112 : index
      %swap3A_154 = tpu.vector_load %arg7[%swap3A_151, %swap3A_152, %swap3A_153] {strides = array<i32>} : memref<2x125x128xf32, #tpu.memory_space<vmem>>, vector<1x1x16xf32>,
      %swap3A_155 = vector.shape_cast %swap3A_154 : vector<1x1x16xf32> to vector<16xf32>
      %swap3A_156 = vector.shape_cast %broadcast_in_dim3A_149 : vector<16xf32> to vector<1x1x16xf32>
      tpu.vector_store %arg7[%swap3A_151, %swap3A_152, %swap3A_153], %swap3A_156 {strides = array<i32>} : memref<2x125x128xf32, #tpu.memory_space<vmem>>, vector<1x1x16xf32>,
    }
    %scan3A_5 = arith.constant 104 : i32
    %mul3A_6 = arith.constant 632 : i32
    %mul3A_7 = arith.muli %arg1, %mul3A_6 : i32
    %add3A_8 = arith.constant 0 : i32
    %add3A_9 = arith.addi %mul3A_7, %add3A_8 : i32
    %run_scoped3A = arith.constant 0 : i32
    "tpu.region"() ({
      %run_scoped3A_86 = tpu.sem_alloc : memref<!tpu.dma_semaphore, #tpu.memory_space<semaphore_mem>>
      %dma_start3A_87 = arith.constant 0 : i32
      %dma_start3A_88 = arith.constant 0 : i32
      %dma_start3A_89 = tpu.memref_slice %arg7[%run_scoped3A, %dma_start3A_87, %dma_start3A_88] : memref<2x125x128xf32, #tpu.memory_space<vmem>> -> memref<1x104x128xf32, #tpu.memory_space<vmem>>
      %dma_start3A_90 = tpu.memref_squeeze %dma_start3A_89 : memref<1x104x128xf32, #tpu.memory_space<vmem>> -> memref<104x128xf32, #tpu.memory_space<vmem>>
      %dma_start3A_91 = arith.constant 0 : i32
      %dma_start3A_92 = tpu.memref_slice %arg8[%add3A_9, %dma_start3A_91] : memref<10112x128xf32, #tpu.memory_space<vmem_shared>> -> memref<104x128xf32, #tpu.memory_space<vmem_shared>>
      %dma_start3A_93 = arith.constant 0 : i32
      %dma_start3A_94 = tpu.memref_slice %arg8[%add3A_9, %dma_start3A_93] : memref<10112x128xf32, #tpu.memory_space<vmem_shared>> -> memref<104x128xf32, #tpu.memory_space<vmem_shared>>
      %dma_start3A_95 = arith.constant 0 : i32
      %dma_start3A_96 = arith.constant 0 : i32
      %dma_start3A_97 = tpu.memref_slice %arg7[%run_scoped3A, %dma_start3A_95, %dma_start3A_96] : memref<2x125x128xf32, #tpu.memory_space<vmem>> -> memref<1x104x128xf32, #tpu.memory_space<vmem>>
      %dma_start3A_98 = tpu.memref_squeeze %dma_start3A_97 : memref<1x104x128xf32, #tpu.memory_space<vmem>> -> memref<104x128xf32, #tpu.memory_space<vmem>>
      tpu.enqueue_dma source(%dma_start3A_98 : memref<104x128xf32, #tpu.memory_space<vmem>>) target(%dma_start3A_94 : memref<104x128xf32, #tpu.memory_space<vmem_shared>>) target_semaphore(%run_scoped3A_86 : memref<!tpu.dma_semaphore, #tpu.memory_space<semaphore_mem>>)
      %dma_wait3A = arith.constant 0 : i32
      %dma_wait3A_99 = arith.constant 0 : i32
      %dma_wait3A_100 = tpu.memref_slice %arg7[%run_scoped3A, %dma_wait3A, %dma_wait3A_99] : memref<2x125x128xf32, #tpu.memory_space<vmem>> -> memref<1x104x128xf32, #tpu.memory_space<vmem>>
      %dma_wait3A_101 = tpu.memref_squeeze %dma_wait3A_100 : memref<1x104x128xf32, #tpu.memory_space<vmem>> -> memref<104x128xf32, #tpu.memory_space<vmem>>
      %dma_wait3A_102 = arith.constant 0 : i32
      %dma_wait3A_103 = tpu.memref_slice %arg8[%add3A_9, %dma_wait3A_102] : memref<10112x128xf32, #tpu.memory_space<vmem_shared>> -> memref<104x128xf32, #tpu.memory_space<vmem_shared>>
      %dma_wait3A_104 = arith.constant 0 : i32
      %dma_wait3A_105 = tpu.memref_slice %arg8[%add3A_9, %dma_wait3A_104] : memref<10112x128xf32, #tpu.memory_space<vmem_shared>> -> memref<104x128xf32, #tpu.memory_space<vmem_shared>>
      %dma_wait3A_106 = arith.constant 0 : i32
      %dma_wait3A_107 = arith.constant 0 : i32
      %dma_wait3A_108 = tpu.memref_slice %arg7[%run_scoped3A, %dma_wait3A_106, %dma_wait3A_107] : memref<2x125x128xf32, #tpu.memory_space<vmem>> -> memref<1x104x128xf32, #tpu.memory_space<vmem>>
      %dma_wait3A_109 = tpu.memref_squeeze %dma_wait3A_108 : memref<1x104x128xf32, #tpu.memory_space<vmem>> -> memref<104x128xf32, #tpu.memory_space<vmem>>
      tpu.wait_dma2 semaphore(%run_scoped3A_86 : memref<!tpu.dma_semaphore, #tpu.memory_space<semaphore_mem>>) src(%dma_wait3A_109 : memref<104x128xf32, #tpu.memory_space<vmem>>) dst(%dma_wait3A_105 : memref<104x128xf32, #tpu.memory_space<vmem_shared>>)
      tpu.yield
    }) : () -> ()
    %mul3A_10 = arith.constant 632 : i32
    %mul3A_11 = arith.muli %arg1, %mul3A_10 : i32
    %add3A_12 = arith.constant 104 : i32
    %add3A_13 = arith.addi %mul3A_11, %add3A_12 : i32
    %run_scoped3A_14 = arith.constant 0 : i32
    "tpu.region"() ({
      %run_scoped3A_86 = tpu.sem_alloc : memref<!tpu.dma_semaphore, #tpu.memory_space<semaphore_mem>>
      %dma_start3A_87 = arith.constant 0 : i32
      %dma_start3A_88 = arith.constant 0 : i32
      %dma_start3A_89 = tpu.memref_slice %arg7[%run_scoped3A_14, %dma_start3A_87, %dma_start3A_88] : memref<2x125x128xf32, #tpu.memory_space<vmem>> -> memref<1x104x128xf32, #tpu.memory_space<vmem>>
      %dma_start3A_90 = tpu.memref_squeeze %dma_start3A_89 : memref<1x104x128xf32, #tpu.memory_space<vmem>> -> memref<104x128xf32, #tpu.memory_space<vmem>>
      %dma_start3A_91 = arith.constant 0 : i32
      %dma_start3A_92 = tpu.memref_slice %arg8[%add3A_13, %dma_start3A_91] : memref<10112x128xf32, #tpu.memory_space<vmem_shared>> -> memref<104x128xf32, #tpu.memory_space<vmem_shared>>
      %dma_start3A_93 = arith.constant 0 : i32
      %dma_start3A_94 = tpu.memref_slice %arg8[%add3A_13, %dma_start3A_93] : memref<10112x128xf32, #tpu.memory_space<vmem_shared>> -> memref<104x128xf32, #tpu.memory_space<vmem_shared>>
      %dma_start3A_95 = arith.constant 0 : i32
      %dma_start3A_96 = arith.constant 0 : i32
      %dma_start3A_97 = tpu.memref_slice %arg7[%run_scoped3A_14, %dma_start3A_95, %dma_start3A_96] : memref<2x125x128xf32, #tpu.memory_space<vmem>> -> memref<1x104x128xf32, #tpu.memory_space<vmem>>
      %dma_start3A_98 = tpu.memref_squeeze %dma_start3A_97 : memref<1x104x128xf32, #tpu.memory_space<vmem>> -> memref<104x128xf32, #tpu.memory_space<vmem>>
      tpu.enqueue_dma source(%dma_start3A_98 : memref<104x128xf32, #tpu.memory_space<vmem>>) target(%dma_start3A_94 : memref<104x128xf32, #tpu.memory_space<vmem_shared>>) target_semaphore(%run_scoped3A_86 : memref<!tpu.dma_semaphore, #tpu.memory_space<semaphore_mem>>)
      %dma_wait3A = arith.constant 0 : i32
      %dma_wait3A_99 = arith.constant 0 : i32
      %dma_wait3A_100 = tpu.memref_slice %arg7[%run_scoped3A_14, %dma_wait3A, %dma_wait3A_99] : memref<2x125x128xf32, #tpu.memory_space<vmem>> -> memref<1x104x128xf32, #tpu.memory_space<vmem>>
      %dma_wait3A_101 = tpu.memref_squeeze %dma_wait3A_100 : memref<1x104x128xf32, #tpu.memory_space<vmem>> -> memref<104x128xf32, #tpu.memory_space<vmem>>
      %dma_wait3A_102 = arith.constant 0 : i32
      %dma_wait3A_103 = tpu.memref_slice %arg8[%add3A_13, %dma_wait3A_102] : memref<10112x128xf32, #tpu.memory_space<vmem_shared>> -> memref<104x128xf32, #tpu.memory_space<vmem_shared>>
      %dma_wait3A_104 = arith.constant 0 : i32
      %dma_wait3A_105 = tpu.memref_slice %arg8[%add3A_13, %dma_wait3A_104] : memref<10112x128xf32, #tpu.memory_space<vmem_shared>> -> memref<104x128xf32, #tpu.memory_space<vmem_shared>>
      %dma_wait3A_106 = arith.constant 0 : i32
      %dma_wait3A_107 = arith.constant 0 : i32
      %dma_wait3A_108 = tpu.memref_slice %arg7[%run_scoped3A_14, %dma_wait3A_106, %dma_wait3A_107] : memref<2x125x128xf32, #tpu.memory_space<vmem>> -> memref<1x104x128xf32, #tpu.memory_space<vmem>>
      %dma_wait3A_109 = tpu.memref_squeeze %dma_wait3A_108 : memref<1x104x128xf32, #tpu.memory_space<vmem>> -> memref<104x128xf32, #tpu.memory_space<vmem>>
      tpu.wait_dma2 semaphore(%run_scoped3A_86 : memref<!tpu.dma_semaphore, #tpu.memory_space<semaphore_mem>>) src(%dma_wait3A_109 : memref<104x128xf32, #tpu.memory_space<vmem>>) dst(%dma_wait3A_105 : memref<104x128xf32, #tpu.memory_space<vmem_shared>>)
      tpu.yield
    }) : () -> ()
    %mul3A_15 = arith.constant 632 : i32
    %mul3A_16 = arith.muli %arg1, %mul3A_15 : i32
    %add3A_17 = arith.constant 208 : i32
    %add3A_18 = arith.addi %mul3A_16, %add3A_17 : i32
    %run_scoped3A_19 = arith.constant 0 : i32
    "tpu.region"() ({
      %run_scoped3A_86 = tpu.sem_alloc : memref<!tpu.dma_semaphore, #tpu.memory_space<semaphore_mem>>
      %dma_start3A_87 = arith.constant 0 : i32
      %dma_start3A_88 = arith.constant 0 : i32
      %dma_start3A_89 = tpu.memref_slice %arg7[%run_scoped3A_19, %dma_start3A_87, %dma_start3A_88] : memref<2x125x128xf32, #tpu.memory_space<vmem>> -> memref<1x104x128xf32, #tpu.memory_space<vmem>>
      %dma_start3A_90 = tpu.memref_squeeze %dma_start3A_89 : memref<1x104x128xf32, #tpu.memory_space<vmem>> -> memref<104x128xf32, #tpu.memory_space<vmem>>
      %dma_start3A_91 = arith.constant 0 : i32
      %dma_start3A_92 = tpu.memref_slice %arg8[%add3A_18, %dma_start3A_91] : memref<10112x128xf32, #tpu.memory_space<vmem_shared>> -> memref<104x128xf32, #tpu.memory_space<vmem_shared>>
      %dma_start3A_93 = arith.constant 0 : i32
      %dma_start3A_94 = tpu.memref_slice %arg8[%add3A_18, %dma_start3A_93] : memref<10112x128xf32, #tpu.memory_space<vmem_shared>> -> memref<104x128xf32, #tpu.memory_space<vmem_shared>>
      %dma_start3A_95 = arith.constant 0 : i32
      %dma_start3A_96 = arith.constant 0 : i32
      %dma_start3A_97 = tpu.memref_slice %arg7[%run_scoped3A_19, %dma_start3A_95, %dma_start3A_96] : memref<2x125x128xf32, #tpu.memory_space<vmem>> -> memref<1x104x128xf32, #tpu.memory_space<vmem>>
      %dma_start3A_98 = tpu.memref_squeeze %dma_start3A_97 : memref<1x104x128xf32, #tpu.memory_space<vmem>> -> memref<104x128xf32, #tpu.memory_space<vmem>>
      tpu.enqueue_dma source(%dma_start3A_98 : memref<104x128xf32, #tpu.memory_space<vmem>>) target(%dma_start3A_94 : memref<104x128xf32, #tpu.memory_space<vmem_shared>>) target_semaphore(%run_scoped3A_86 : memref<!tpu.dma_semaphore, #tpu.memory_space<semaphore_mem>>)
      %dma_wait3A = arith.constant 0 : i32
      %dma_wait3A_99 = arith.constant 0 : i32
      %dma_wait3A_100 = tpu.memref_slice %arg7[%run_scoped3A_19, %dma_wait3A, %dma_wait3A_99] : memref<2x125x128xf32, #tpu.memory_space<vmem>> -> memref<1x104x128xf32, #tpu.memory_space<vmem>>
      %dma_wait3A_101 = tpu.memref_squeeze %dma_wait3A_100 : memref<1x104x128xf32, #tpu.memory_space<vmem>> -> memref<104x128xf32, #tpu.memory_space<vmem>>
      %dma_wait3A_102 = arith.constant 0 : i32
      %dma_wait3A_103 = tpu.memref_slice %arg8[%add3A_18, %dma_wait3A_102] : memref<10112x128xf32, #tpu.memory_space<vmem_shared>> -> memref<104x128xf32, #tpu.memory_space<vmem_shared>>
      %dma_wait3A_104 = arith.constant 0 : i32
      %dma_wait3A_105 = tpu.memref_slice %arg8[%add3A_18, %dma_wait3A_104] : memref<10112x128xf32, #tpu.memory_space<vmem_shared>> -> memref<104x128xf32, #tpu.memory_space<vmem_shared>>
      %dma_wait3A_106 = arith.constant 0 : i32
      %dma_wait3A_107 = arith.constant 0 : i32
      %dma_wait3A_108 = tpu.memref_slice %arg7[%run_scoped3A_19, %dma_wait3A_106, %dma_wait3A_107] : memref<2x125x128xf32, #tpu.memory_space<vmem>> -> memref<1x104x128xf32, #tpu.memory_space<vmem>>
      %dma_wait3A_109 = tpu.memref_squeeze %dma_wait3A_108 : memref<1x104x128xf32, #tpu.memory_space<vmem>> -> memref<104x128xf32, #tpu.memory_space<vmem>>
      tpu.wait_dma2 semaphore(%run_scoped3A_86 : memref<!tpu.dma_semaphore, #tpu.memory_space<semaphore_mem>>) src(%dma_wait3A_109 : memref<104x128xf32, #tpu.memory_space<vmem>>) dst(%dma_wait3A_105 : memref<104x128xf32, #tpu.memory_space<vmem_shared>>)
      tpu.yield
    }) : () -> ()
    %mul3A_20 = arith.constant 632 : i32
    %mul3A_21 = arith.muli %arg1, %mul3A_20 : i32
    %add3A_22 = arith.constant 312 : i32
    %add3A_23 = arith.addi %mul3A_21, %add3A_22 : i32
    %run_scoped3A_24 = arith.constant 0 : i32
    "tpu.region"() ({
      %run_scoped3A_86 = tpu.sem_alloc : memref<!tpu.dma_semaphore, #tpu.memory_space<semaphore_mem>>
      %dma_start3A_87 = arith.constant 0 : i32
      %dma_start3A_88 = arith.constant 0 : i32
      %dma_start3A_89 = tpu.memref_slice %arg7[%run_scoped3A_24, %dma_start3A_87, %dma_start3A_88] : memref<2x125x128xf32, #tpu.memory_space<vmem>> -> memref<1x104x128xf32, #tpu.memory_space<vmem>>
      %dma_start3A_90 = tpu.memref_squeeze %dma_start3A_89 : memref<1x104x128xf32, #tpu.memory_space<vmem>> -> memref<104x128xf32, #tpu.memory_space<vmem>>
      %dma_start3A_91 = arith.constant 0 : i32
      %dma_start3A_92 = tpu.memref_slice %arg8[%add3A_23, %dma_start3A_91] : memref<10112x128xf32, #tpu.memory_space<vmem_shared>> -> memref<104x128xf32, #tpu.memory_space<vmem_shared>>
      %dma_start3A_93 = arith.constant 0 : i32
      %dma_start3A_94 = tpu.memref_slice %arg8[%add3A_23, %dma_start3A_93] : memref<10112x128xf32, #tpu.memory_space<vmem_shared>> -> memref<104x128xf32, #tpu.memory_space<vmem_shared>>
      %dma_start3A_95 = arith.constant 0 : i32
      %dma_start3A_96 = arith.constant 0 : i32
      %dma_start3A_97 = tpu.memref_slice %arg7[%run_scoped3A_24, %dma_start3A_95, %dma_start3A_96] : memref<2x125x128xf32, #tpu.memory_space<vmem>> -> memref<1x104x128xf32, #tpu.memory_space<vmem>>
      %dma_start3A_98 = tpu.memref_squeeze %dma_start3A_97 : memref<1x104x128xf32, #tpu.memory_space<vmem>> -> memref<104x128xf32, #tpu.memory_space<vmem>>
      tpu.enqueue_dma source(%dma_start3A_98 : memref<104x128xf32, #tpu.memory_space<vmem>>) target(%dma_start3A_94 : memref<104x128xf32, #tpu.memory_space<vmem_shared>>) target_semaphore(%run_scoped3A_86 : memref<!tpu.dma_semaphore, #tpu.memory_space<semaphore_mem>>)
      %dma_wait3A = arith.constant 0 : i32
      %dma_wait3A_99 = arith.constant 0 : i32
      %dma_wait3A_100 = tpu.memref_slice %arg7[%run_scoped3A_24, %dma_wait3A, %dma_wait3A_99] : memref<2x125x128xf32, #tpu.memory_space<vmem>> -> memref<1x104x128xf32, #tpu.memory_space<vmem>>
      %dma_wait3A_101 = tpu.memref_squeeze %dma_wait3A_100 : memref<1x104x128xf32, #tpu.memory_space<vmem>> -> memref<104x128xf32, #tpu.memory_space<vmem>>
      %dma_wait3A_102 = arith.constant 0 : i32
      %dma_wait3A_103 = tpu.memref_slice %arg8[%add3A_23, %dma_wait3A_102] : memref<10112x128xf32, #tpu.memory_space<vmem_shared>> -> memref<104x128xf32, #tpu.memory_space<vmem_shared>>
      %dma_wait3A_104 = arith.constant 0 : i32
      %dma_wait3A_105 = tpu.memref_slice %arg8[%add3A_23, %dma_wait3A_104] : memref<10112x128xf32, #tpu.memory_space<vmem_shared>> -> memref<104x128xf32, #tpu.memory_space<vmem_shared>>
      %dma_wait3A_106 = arith.constant 0 : i32
      %dma_wait3A_107 = arith.constant 0 : i32
      %dma_wait3A_108 = tpu.memref_slice %arg7[%run_scoped3A_24, %dma_wait3A_106, %dma_wait3A_107] : memref<2x125x128xf32, #tpu.memory_space<vmem>> -> memref<1x104x128xf32, #tpu.memory_space<vmem>>
      %dma_wait3A_109 = tpu.memref_squeeze %dma_wait3A_108 : memref<1x104x128xf32, #tpu.memory_space<vmem>> -> memref<104x128xf32, #tpu.memory_space<vmem>>
      tpu.wait_dma2 semaphore(%run_scoped3A_86 : memref<!tpu.dma_semaphore, #tpu.memory_space<semaphore_mem>>) src(%dma_wait3A_109 : memref<104x128xf32, #tpu.memory_space<vmem>>) dst(%dma_wait3A_105 : memref<104x128xf32, #tpu.memory_space<vmem_shared>>)
      tpu.yield
    }) : () -> ()
    %mul3A_25 = arith.constant 632 : i32
    %mul3A_26 = arith.muli %arg1, %mul3A_25 : i32
    %add3A_27 = arith.constant 416 : i32
    %add3A_28 = arith.addi %mul3A_26, %add3A_27 : i32
    %run_scoped3A_29 = arith.constant 0 : i32
    "tpu.region"() ({
      %run_scoped3A_86 = tpu.sem_alloc : memref<!tpu.dma_semaphore, #tpu.memory_space<semaphore_mem>>
      %dma_start3A_87 = arith.constant 0 : i32
      %dma_start3A_88 = arith.constant 0 : i32
      %dma_start3A_89 = tpu.memref_slice %arg7[%run_scoped3A_29, %dma_start3A_87, %dma_start3A_88] : memref<2x125x128xf32, #tpu.memory_space<vmem>> -> memref<1x104x128xf32, #tpu.memory_space<vmem>>
      %dma_start3A_90 = tpu.memref_squeeze %dma_start3A_89 : memref<1x104x128xf32, #tpu.memory_space<vmem>> -> memref<104x128xf32, #tpu.memory_space<vmem>>
      %dma_start3A_91 = arith.constant 0 : i32
      %dma_start3A_92 = tpu.memref_slice %arg8[%add3A_28, %dma_start3A_91] : memref<10112x128xf32, #tpu.memory_space<vmem_shared>> -> memref<104x128xf32, #tpu.memory_space<vmem_shared>>
      %dma_start3A_93 = arith.constant 0 : i32
      %dma_start3A_94 = tpu.memref_slice %arg8[%add3A_28, %dma_start3A_93] : memref<10112x128xf32, #tpu.memory_space<vmem_shared>> -> memref<104x128xf32, #tpu.memory_space<vmem_shared>>
      %dma_start3A_95 = arith.constant 0 : i32
      %dma_start3A_96 = arith.constant 0 : i32
      %dma_start3A_97 = tpu.memref_slice %arg7[%run_scoped3A_29, %dma_start3A_95, %dma_start3A_96] : memref<2x125x128xf32, #tpu.memory_space<vmem>> -> memref<1x104x128xf32, #tpu.memory_space<vmem>>
      %dma_start3A_98 = tpu.memref_squeeze %dma_start3A_97 : memref<1x104x128xf32, #tpu.memory_space<vmem>> -> memref<104x128xf32, #tpu.memory_space<vmem>>
      tpu.enqueue_dma source(%dma_start3A_98 : memref<104x128xf32, #tpu.memory_space<vmem>>) target(%dma_start3A_94 : memref<104x128xf32, #tpu.memory_space<vmem_shared>>) target_semaphore(%run_scoped3A_86 : memref<!tpu.dma_semaphore, #tpu.memory_space<semaphore_mem>>)
      %dma_wait3A = arith.constant 0 : i32
      %dma_wait3A_99 = arith.constant 0 : i32
      %dma_wait3A_100 = tpu.memref_slice %arg7[%run_scoped3A_29, %dma_wait3A, %dma_wait3A_99] : memref<2x125x128xf32, #tpu.memory_space<vmem>> -> memref<1x104x128xf32, #tpu.memory_space<vmem>>
      %dma_wait3A_101 = tpu.memref_squeeze %dma_wait3A_100 : memref<1x104x128xf32, #tpu.memory_space<vmem>> -> memref<104x128xf32, #tpu.memory_space<vmem>>
      %dma_wait3A_102 = arith.constant 0 : i32
      %dma_wait3A_103 = tpu.memref_slice %arg8[%add3A_28, %dma_wait3A_102] : memref<10112x128xf32, #tpu.memory_space<vmem_shared>> -> memref<104x128xf32, #tpu.memory_space<vmem_shared>>
      %dma_wait3A_104 = arith.constant 0 : i32
      %dma_wait3A_105 = tpu.memref_slice %arg8[%add3A_28, %dma_wait3A_104] : memref<10112x128xf32, #tpu.memory_space<vmem_shared>> -> memref<104x128xf32, #tpu.memory_space<vmem_shared>>
      %dma_wait3A_106 = arith.constant 0 : i32
      %dma_wait3A_107 = arith.constant 0 : i32
      %dma_wait3A_108 = tpu.memref_slice %arg7[%run_scoped3A_29, %dma_wait3A_106, %dma_wait3A_107] : memref<2x125x128xf32, #tpu.memory_space<vmem>> -> memref<1x104x128xf32, #tpu.memory_space<vmem>>
      %dma_wait3A_109 = tpu.memref_squeeze %dma_wait3A_108 : memref<1x104x128xf32, #tpu.memory_space<vmem>> -> memref<104x128xf32, #tpu.memory_space<vmem>>
      tpu.wait_dma2 semaphore(%run_scoped3A_86 : memref<!tpu.dma_semaphore, #tpu.memory_space<semaphore_mem>>) src(%dma_wait3A_109 : memref<104x128xf32, #tpu.memory_space<vmem>>) dst(%dma_wait3A_105 : memref<104x128xf32, #tpu.memory_space<vmem_shared>>)
      tpu.yield
    }) : () -> ()
    %mul3A_30 = arith.constant 632 : i32
    %mul3A_31 = arith.muli %arg1, %mul3A_30 : i32
    %add3A_32 = arith.constant 520 : i32
    %add3A_33 = arith.addi %mul3A_31, %add3A_32 : i32
    %run_scoped3A_34 = arith.constant 0 : i32
    "tpu.region"() ({
      %run_scoped3A_86 = tpu.sem_alloc : memref<!tpu.dma_semaphore, #tpu.memory_space<semaphore_mem>>
      %dma_start3A_87 = arith.constant 0 : i32
      %dma_start3A_88 = arith.constant 0 : i32
      %dma_start3A_89 = tpu.memref_slice %arg7[%run_scoped3A_34, %dma_start3A_87, %dma_start3A_88] : memref<2x125x128xf32, #tpu.memory_space<vmem>> -> memref<1x104x128xf32, #tpu.memory_space<vmem>>
      %dma_start3A_90 = tpu.memref_squeeze %dma_start3A_89 : memref<1x104x128xf32, #tpu.memory_space<vmem>> -> memref<104x128xf32, #tpu.memory_space<vmem>>
      %dma_start3A_91 = arith.constant 0 : i32
      %dma_start3A_92 = tpu.memref_slice %arg8[%add3A_33, %dma_start3A_91] : memref<10112x128xf32, #tpu.memory_space<vmem_shared>> -> memref<104x128xf32, #tpu.memory_space<vmem_shared>>
      %dma_start3A_93 = arith.constant 0 : i32
      %dma_start3A_94 = tpu.memref_slice %arg8[%add3A_33, %dma_start3A_93] : memref<10112x128xf32, #tpu.memory_space<vmem_shared>> -> memref<104x128xf32, #tpu.memory_space<vmem_shared>>
      %dma_start3A_95 = arith.constant 0 : i32
      %dma_start3A_96 = arith.constant 0 : i32
      %dma_start3A_97 = tpu.memref_slice %arg7[%run_scoped3A_34, %dma_start3A_95, %dma_start3A_96] : memref<2x125x128xf32, #tpu.memory_space<vmem>> -> memref<1x104x128xf32, #tpu.memory_space<vmem>>
      %dma_start3A_98 = tpu.memref_squeeze %dma_start3A_97 : memref<1x104x128xf32, #tpu.memory_space<vmem>> -> memref<104x128xf32, #tpu.memory_space<vmem>>
      tpu.enqueue_dma source(%dma_start3A_98 : memref<104x128xf32, #tpu.memory_space<vmem>>) target(%dma_start3A_94 : memref<104x128xf32, #tpu.memory_space<vmem_shared>>) target_semaphore(%run_scoped3A_86 : memref<!tpu.dma_semaphore, #tpu.memory_space<semaphore_mem>>)
      %dma_wait3A = arith.constant 0 : i32
      %dma_wait3A_99 = arith.constant 0 : i32
      %dma_wait3A_100 = tpu.memref_slice %arg7[%run_scoped3A_34, %dma_wait3A, %dma_wait3A_99] : memref<2x125x128xf32, #tpu.memory_space<vmem>> -> memref<1x104x128xf32, #tpu.memory_space<vmem>>
      %dma_wait3A_101 = tpu.memref_squeeze %dma_wait3A_100 : memref<1x104x128xf32, #tpu.memory_space<vmem>> -> memref<104x128xf32, #tpu.memory_space<vmem>>
      %dma_wait3A_102 = arith.constant 0 : i32
      %dma_wait3A_103 = tpu.memref_slice %arg8[%add3A_33, %dma_wait3A_102] : memref<10112x128xf32, #tpu.memory_space<vmem_shared>> -> memref<104x128xf32, #tpu.memory_space<vmem_shared>>
      %dma_wait3A_104 = arith.constant 0 : i32
      %dma_wait3A_105 = tpu.memref_slice %arg8[%add3A_33, %dma_wait3A_104] : memref<10112x128xf32, #tpu.memory_space<vmem_shared>> -> memref<104x128xf32, #tpu.memory_space<vmem_shared>>
      %dma_wait3A_106 = arith.constant 0 : i32
      %dma_wait3A_107 = arith.constant 0 : i32
      %dma_wait3A_108 = tpu.memref_slice %arg7[%run_scoped3A_34, %dma_wait3A_106, %dma_wait3A_107] : memref<2x125x128xf32, #tpu.memory_space<vmem>> -> memref<1x104x128xf32, #tpu.memory_space<vmem>>
      %dma_wait3A_109 = tpu.memref_squeeze %dma_wait3A_108 : memref<1x104x128xf32, #tpu.memory_space<vmem>> -> memref<104x128xf32, #tpu.memory_space<vmem>>
      tpu.wait_dma2 semaphore(%run_scoped3A_86 : memref<!tpu.dma_semaphore, #tpu.memory_space<semaphore_mem>>) src(%dma_wait3A_109 : memref<104x128xf32, #tpu.memory_space<vmem>>) dst(%dma_wait3A_105 : memref<104x128xf32, #tpu.memory_space<vmem_shared>>)
      tpu.yield
    }) : () -> ()
    %mul3A_35 = arith.constant 632 : i32
    %mul3A_36 = arith.muli %arg1, %mul3A_35 : i32
    %add3A_37 = arith.constant 624 : i32
    %add3A_38 = arith.addi %mul3A_36, %add3A_37 : i32
    %run_scoped3A_39 = arith.constant 0 : i32
    "tpu.region"() ({
      %run_scoped3A_86 = tpu.sem_alloc : memref<!tpu.dma_semaphore, #tpu.memory_space<semaphore_mem>>
      %dma_start3A_87 = arith.constant 0 : i32
      %dma_start3A_88 = arith.constant 0 : i32
      %dma_start3A_89 = tpu.memref_slice %arg7[%run_scoped3A_39, %dma_start3A_87, %dma_start3A_88] : memref<2x125x128xf32, #tpu.memory_space<vmem>> -> memref<1x8x128xf32, #tpu.memory_space<vmem>>
      %dma_start3A_90 = tpu.memref_squeeze %dma_start3A_89 : memref<1x8x128xf32, #tpu.memory_space<vmem>> -> memref<8x128xf32, #tpu.memory_space<vmem>>
      %dma_start3A_91 = arith.constant 0 : i32
      %dma_start3A_92 = tpu.memref_slice %arg8[%add3A_38, %dma_start3A_91] : memref<10112x128xf32, #tpu.memory_space<vmem_shared>> -> memref<8x128xf32, #tpu.memory_space<vmem_shared>>
      %dma_start3A_93 = arith.constant 0 : i32
      %dma_start3A_94 = tpu.memref_slice %arg8[%add3A_38, %dma_start3A_93] : memref<10112x128xf32, #tpu.memory_space<vmem_shared>> -> memref<8x128xf32, #tpu.memory_space<vmem_shared>>
      %dma_start3A_95 = arith.constant 0 : i32
      %dma_start3A_96 = arith.constant 0 : i32
      %dma_start3A_97 = tpu.memref_slice %arg7[%run_scoped3A_39, %dma_start3A_95, %dma_start3A_96] : memref<2x125x128xf32, #tpu.memory_space<vmem>> -> memref<1x8x128xf32, #tpu.memory_space<vmem>>
      %dma_start3A_98 = tpu.memref_squeeze %dma_start3A_97 : memref<1x8x128xf32, #tpu.memory_space<vmem>> -> memref<8x128xf32, #tpu.memory_space<vmem>>
      tpu.enqueue_dma source(%dma_start3A_98 : memref<8x128xf32, #tpu.memory_space<vmem>>) target(%dma_start3A_94 : memref<8x128xf32, #tpu.memory_space<vmem_shared>>) target_semaphore(%run_scoped3A_86 : memref<!tpu.dma_semaphore, #tpu.memory_space<semaphore_mem>>)
      %dma_wait3A = arith.constant 0 : i32
      %dma_wait3A_99 = arith.constant 0 : i32
      %dma_wait3A_100 = tpu.memref_slice %arg7[%run_scoped3A_39, %dma_wait3A, %dma_wait3A_99] : memref<2x125x128xf32, #tpu.memory_space<vmem>> -> memref<1x8x128xf32, #tpu.memory_space<vmem>>
      %dma_wait3A_101 = tpu.memref_squeeze %dma_wait3A_100 : memref<1x8x128xf32, #tpu.memory_space<vmem>> -> memref<8x128xf32, #tpu.memory_space<vmem>>
      %dma_wait3A_102 = arith.constant 0 : i32
      %dma_wait3A_103 = tpu.memref_slice %arg8[%add3A_38, %dma_wait3A_102] : memref<10112x128xf32, #tpu.memory_space<vmem_shared>> -> memref<8x128xf32, #tpu.memory_space<vmem_shared>>
      %dma_wait3A_104 = arith.constant 0 : i32
      %dma_wait3A_105 = tpu.memref_slice %arg8[%add3A_38, %dma_wait3A_104] : memref<10112x128xf32, #tpu.memory_space<vmem_shared>> -> memref<8x128xf32, #tpu.memory_space<vmem_shared>>
      %dma_wait3A_106 = arith.constant 0 : i32
      %dma_wait3A_107 = arith.constant 0 : i32
      %dma_wait3A_108 = tpu.memref_slice %arg7[%run_scoped3A_39, %dma_wait3A_106, %dma_wait3A_107] : memref<2x125x128xf32, #tpu.memory_space<vmem>> -> memref<1x8x128xf32, #tpu.memory_space<vmem>>
      %dma_wait3A_109 = tpu.memref_squeeze %dma_wait3A_108 : memref<1x8x128xf32, #tpu.memory_space<vmem>> -> memref<8x128xf32, #tpu.memory_space<vmem>>
      tpu.wait_dma2 semaphore(%run_scoped3A_86 : memref<!tpu.dma_semaphore, #tpu.memory_space<semaphore_mem>>) src(%dma_wait3A_109 : memref<8x128xf32, #tpu.memory_space<vmem>>) dst(%dma_wait3A_105 : memref<8x128xf32, #tpu.memory_space<vmem_shared>>)
      tpu.yield
    }) : () -> ()
    %barrier3A = arith.constant 0 : index
    tpu.barrier barrier_id(%barrier3A)
    %run_scoped3A_40 = arith.constant 0 : i32
    "tpu.region"() ({
      %run_scoped3A_86 = tpu.sem_alloc : memref<!tpu.dma_semaphore, #tpu.memory_space<semaphore_mem>>
      %dma_start3A_87 = arith.constant 0 : i32
      %dma_start3A_88 = arith.constant 0 : i32
      %dma_start3A_89 = tpu.memref_slice %arg6[%run_scoped3A_40, %dma_start3A_87, %dma_start3A_88] : memref<2x40x125xi32, #tpu.memory_space<vmem>> -> memref<1x40x125xi32, #tpu.memory_space<vmem>>
      %dma_start3A_90 = tpu.memref_squeeze %dma_start3A_89 : memref<1x40x125xi32, #tpu.memory_space<vmem>> -> memref<40x125xi32, #tpu.memory_space<vmem>>
      %dma_start3A_91 = arith.constant 0 : i32
      %dma_start3A_92 = arith.constant 0 : i32
      %dma_start3A_93 = tpu.memref_slice %arg3[%add3A, %dma_start3A_91, %dma_start3A_92] : memref<32x80x125xi32, #tpu.memory_space<hbm>> -> memref<1x40x125xi32, #tpu.memory_space<hbm>>
      %dma_start3A_94 = tpu.memref_squeeze %dma_start3A_93 : memref<1x40x125xi32, #tpu.memory_space<hbm>> -> memref<40x125xi32, #tpu.memory_space<hbm>>
      %dma_start3A_95 = arith.constant 0 : i32
      %dma_start3A_96 = arith.constant 0 : i32
      %dma_start3A_97 = tpu.memref_slice %arg6[%run_scoped3A_40, %dma_start3A_95, %dma_start3A_96] : memref<2x40x125xi32, #tpu.memory_space<vmem>> -> memref<1x40x125xi32, #tpu.memory_space<vmem>>
      %dma_start3A_98 = tpu.memref_squeeze %dma_start3A_97 : memref<1x40x125xi32, #tpu.memory_space<vmem>> -> memref<40x125xi32, #tpu.memory_space<vmem>>
      %dma_start3A_99 = arith.constant 0 : i32
      %dma_start3A_100 = arith.constant 0 : i32
      %dma_start3A_101 = tpu.memref_slice %arg3[%add3A, %dma_start3A_99, %dma_start3A_100] : memref<32x80x125xi32, #tpu.memory_space<hbm>> -> memref<1x40x125xi32, #tpu.memory_space<hbm>>
      %dma_start3A_102 = tpu.memref_squeeze %dma_start3A_101 : memref<1x40x125xi32, #tpu.memory_space<hbm>> -> memref<40x125xi32, #tpu.memory_space<hbm>>
      tpu.enqueue_dma source(%dma_start3A_102 : memref<40x125xi32, #tpu.memory_space<hbm>>) target(%dma_start3A_98 : memref<40x125xi32, #tpu.memory_space<vmem>>) target_semaphore(%run_scoped3A_86 : memref<!tpu.dma_semaphore, #tpu.memory_space<semaphore_mem>>)
      %dma_wait3A = arith.constant 0 : i32
      %dma_wait3A_103 = arith.constant 0 : i32
      %dma_wait3A_104 = tpu.memref_slice %arg6[%run_scoped3A_40, %dma_wait3A, %dma_wait3A_103] : memref<2x40x125xi32, #tpu.memory_space<vmem>> -> memref<1x40x125xi32, #tpu.memory_space<vmem>>
      %dma_wait3A_105 = tpu.memref_squeeze %dma_wait3A_104 : memref<1x40x125xi32, #tpu.memory_space<vmem>> -> memref<40x125xi32, #tpu.memory_space<vmem>>
      %dma_wait3A_106 = arith.constant 0 : i32
      %dma_wait3A_107 = arith.constant 0 : i32
      %dma_wait3A_108 = tpu.memref_slice %arg3[%add3A, %dma_wait3A_106, %dma_wait3A_107] : memref<32x80x125xi32, #tpu.memory_space<hbm>> -> memref<1x40x125xi32, #tpu.memory_space<hbm>>
      %dma_wait3A_109 = tpu.memref_squeeze %dma_wait3A_108 : memref<1x40x125xi32, #tpu.memory_space<hbm>> -> memref<40x125xi32, #tpu.memory_space<hbm>>
      %dma_wait3A_110 = arith.constant 0 : i32
      %dma_wait3A_111 = arith.constant 0 : i32
      %dma_wait3A_112 = tpu.memref_slice %arg6[%run_scoped3A_40, %dma_wait3A_110, %dma_wait3A_111] : memref<2x40x125xi32, #tpu.memory_space<vmem>> -> memref<1x40x125xi32, #tpu.memory_space<vmem>>
      %dma_wait3A_113 = tpu.memref_squeeze %dma_wait3A_112 : memref<1x40x125xi32, #tpu.memory_space<vmem>> -> memref<40x125xi32, #tpu.memory_space<vmem>>
      %dma_wait3A_114 = arith.constant 0 : i32
      %dma_wait3A_115 = arith.constant 0 : i32
      %dma_wait3A_116 = tpu.memref_slice %arg3[%add3A, %dma_wait3A_114, %dma_wait3A_115] : memref<32x80x125xi32, #tpu.memory_space<hbm>> -> memref<1x40x125xi32, #tpu.memory_space<hbm>>
      %dma_wait3A_117 = tpu.memref_squeeze %dma_wait3A_116 : memref<1x40x125xi32, #tpu.memory_space<hbm>> -> memref<40x125xi32, #tpu.memory_space<hbm>>
      tpu.wait_dma2 semaphore(%run_scoped3A_86 : memref<!tpu.dma_semaphore, #tpu.memory_space<semaphore_mem>>) src(%dma_wait3A_117 : memref<40x125xi32, #tpu.memory_space<hbm>>) dst(%dma_wait3A_113 : memref<40x125xi32, #tpu.memory_space<vmem>>)
      tpu.yield
    }) : () -> ()
    %run_scoped3A_41 = arith.constant 1 : i32
    "tpu.region"() ({
      %run_scoped3A_86 = tpu.sem_alloc : memref<!tpu.dma_semaphore, #tpu.memory_space<semaphore_mem>>
      %dma_start3A_87 = arith.constant 0 : i32
      %dma_start3A_88 = arith.constant 0 : i32
      %dma_start3A_89 = tpu.memref_slice %arg6[%run_scoped3A_41, %dma_start3A_87, %dma_start3A_88] : memref<2x40x125xi32, #tpu.memory_space<vmem>> -> memref<1x40x125xi32, #tpu.memory_space<vmem>>
      %dma_start3A_90 = tpu.memref_squeeze %dma_start3A_89 : memref<1x40x125xi32, #tpu.memory_space<vmem>> -> memref<40x125xi32, #tpu.memory_space<vmem>>
      %dma_start3A_91 = arith.constant 0 : i32
      %dma_start3A_92 = arith.constant 0 : i32
      %dma_start3A_93 = tpu.memref_slice %arg4[%add3A, %dma_start3A_91, %dma_start3A_92] : memref<32x80x125xi32, #tpu.memory_space<hbm>> -> memref<1x40x125xi32, #tpu.memory_space<hbm>>
      %dma_start3A_94 = tpu.memref_squeeze %dma_start3A_93 : memref<1x40x125xi32, #tpu.memory_space<hbm>> -> memref<40x125xi32, #tpu.memory_space<hbm>>
      %dma_start3A_95 = arith.constant 0 : i32
      %dma_start3A_96 = arith.constant 0 : i32
      %dma_start3A_97 = tpu.memref_slice %arg6[%run_scoped3A_41, %dma_start3A_95, %dma_start3A_96] : memref<2x40x125xi32, #tpu.memory_space<vmem>> -> memref<1x40x125xi32, #tpu.memory_space<vmem>>
      %dma_start3A_98 = tpu.memref_squeeze %dma_start3A_97 : memref<1x40x125xi32, #tpu.memory_space<vmem>> -> memref<40x125xi32, #tpu.memory_space<vmem>>
      %dma_start3A_99 = arith.constant 0 : i32
      %dma_start3A_100 = arith.constant 0 : i32
      %dma_start3A_101 = tpu.memref_slice %arg4[%add3A, %dma_start3A_99, %dma_start3A_100] : memref<32x80x125xi32, #tpu.memory_space<hbm>> -> memref<1x40x125xi32, #tpu.memory_space<hbm>>
      %dma_start3A_102 = tpu.memref_squeeze %dma_start3A_101 : memref<1x40x125xi32, #tpu.memory_space<hbm>> -> memref<40x125xi32, #tpu.memory_space<hbm>>
      tpu.enqueue_dma source(%dma_start3A_102 : memref<40x125xi32, #tpu.memory_space<hbm>>) target(%dma_start3A_98 : memref<40x125xi32, #tpu.memory_space<vmem>>) target_semaphore(%run_scoped3A_86 : memref<!tpu.dma_semaphore, #tpu.memory_space<semaphore_mem>>)
      %dma_wait3A = arith.constant 0 : i32
      %dma_wait3A_103 = arith.constant 0 : i32
      %dma_wait3A_104 = tpu.memref_slice %arg6[%run_scoped3A_41, %dma_wait3A, %dma_wait3A_103] : memref<2x40x125xi32, #tpu.memory_space<vmem>> -> memref<1x40x125xi32, #tpu.memory_space<vmem>>
      %dma_wait3A_105 = tpu.memref_squeeze %dma_wait3A_104 : memref<1x40x125xi32, #tpu.memory_space<vmem>> -> memref<40x125xi32, #tpu.memory_space<vmem>>
      %dma_wait3A_106 = arith.constant 0 : i32
      %dma_wait3A_107 = arith.constant 0 : i32
      %dma_wait3A_108 = tpu.memref_slice %arg4[%add3A, %dma_wait3A_106, %dma_wait3A_107] : memref<32x80x125xi32, #tpu.memory_space<hbm>> -> memref<1x40x125xi32, #tpu.memory_space<hbm>>
      %dma_wait3A_109 = tpu.memref_squeeze %dma_wait3A_108 : memref<1x40x125xi32, #tpu.memory_space<hbm>> -> memref<40x125xi32, #tpu.memory_space<hbm>>
      %dma_wait3A_110 = arith.constant 0 : i32
      %dma_wait3A_111 = arith.constant 0 : i32
      %dma_wait3A_112 = tpu.memref_slice %arg6[%run_scoped3A_41, %dma_wait3A_110, %dma_wait3A_111] : memref<2x40x125xi32, #tpu.memory_space<vmem>> -> memref<1x40x125xi32, #tpu.memory_space<vmem>>
      %dma_wait3A_113 = tpu.memref_squeeze %dma_wait3A_112 : memref<1x40x125xi32, #tpu.memory_space<vmem>> -> memref<40x125xi32, #tpu.memory_space<vmem>>
      %dma_wait3A_114 = arith.constant 0 : i32
      %dma_wait3A_115 = arith.constant 0 : i32
      %dma_wait3A_116 = tpu.memref_slice %arg4[%add3A, %dma_wait3A_114, %dma_wait3A_115] : memref<32x80x125xi32, #tpu.memory_space<hbm>> -> memref<1x40x125xi32, #tpu.memory_space<hbm>>
      %dma_wait3A_117 = tpu.memref_squeeze %dma_wait3A_116 : memref<1x40x125xi32, #tpu.memory_space<hbm>> -> memref<40x125xi32, #tpu.memory_space<hbm>>
      tpu.wait_dma2 semaphore(%run_scoped3A_86 : memref<!tpu.dma_semaphore, #tpu.memory_space<semaphore_mem>>) src(%dma_wait3A_117 : memref<40x125xi32, #tpu.memory_space<hbm>>) dst(%dma_wait3A_113 : memref<40x125xi32, #tpu.memory_space<vmem>>)
      tpu.yield
    }) : () -> ()
    %dma_start3A = arith.constant 0 : i32
    %dma_start3A_42 = arith.constant 0 : i32
    %dma_start3A_43 = arith.constant 0 : i32
    %dma_start3A_44 = arith.constant 0 : i32
    %dma_start3A_45 = arith.constant 0 : i32
    %dma_start3A_46 = tpu.memref_slice %arg7[%dma_start3A_43, %dma_start3A_44, %dma_start3A_45] : memref<2x125x128xf32, #tpu.memory_space<vmem>> -> memref<1x125x128xf32, #tpu.memory_space<vmem>>
    %dma_start3A_47 = tpu.memref_squeeze %dma_start3A_46 : memref<1x125x128xf32, #tpu.memory_space<vmem>> -> memref<125x128xf32, #tpu.memory_space<vmem>>
    %dma_start3A_48 = arith.constant 0 : i32
    %dma_start3A_49 = tpu.memref_slice %arg6[%dma_start3A, %dma_start3A_42, %dma_start3A_48] : memref<2x40x125xi32, #tpu.memory_space<vmem>> -> memref<1x1x125xi32, #tpu.memory_space<vmem>>
    %dma_start3A_50 = tpu.memref_squeeze %dma_start3A_49 : memref<1x1x125xi32, #tpu.memory_space<vmem>> -> memref<125xi32, #tpu.memory_space<vmem>>
    %dma_start3A_51 = arith.constant 0 : i32
    %dma_start3A_52 = arith.constant 0 : i32
    %dma_start3A_53 = tpu.memref_slice %arg2[%dma_start3A_51, %dma_start3A_52] : memref<10240x128xf32, #tpu.memory_space<hbm>> -> memref<10240x128xf32, #tpu.memory_space<hbm>>
    tpu.enqueue_indirect_dma source(%dma_start3A_53 : memref<10240x128xf32, #tpu.memory_space<hbm>>) target(%dma_start3A_47 : memref<125x128xf32, #tpu.memory_space<vmem>>) offsets(%dma_start3A_50 : memref<125xi32, #tpu.memory_space<vmem>>) semaphore(%arg9 : memref<!tpu.dma_semaphore, #tpu.memory_space<semaphore_mem>>)
    %scan3A_54 = arith.constant 0 : i32
    %scan3A_55 = arith.constant 0 : i32
    %scan3A_56 = arith.constant 40 : i32
    %scan3A_57 = arith.addi %scan3A_55, %scan3A_56 : i32
    %scan3A_58 = arith.constant 1 : i32
    scf.for %scan3A_86 = %scan3A_55 to %scan3A_57 step %scan3A_58  : i32 {
      %rem3A = arith.constant 2 : i32
      %rem3A_87 = arith.remsi %scan3A_86, %rem3A : i32
      %dma_wait3A = arith.constant 0 : i32
      %dma_wait3A_88 = arith.constant 0 : i32
      %dma_wait3A_89 = arith.constant 0 : i32
      %dma_wait3A_90 = tpu.memref_slice %arg7[%rem3A_87, %dma_wait3A_88, %dma_wait3A_89] : memref<2x125x128xf32, #tpu.memory_space<vmem>> -> memref<1x125x128xf32, #tpu.memory_space<vmem>>
      %dma_wait3A_91 = tpu.memref_squeeze %dma_wait3A_90 : memref<1x125x128xf32, #tpu.memory_space<vmem>> -> memref<125x128xf32, #tpu.memory_space<vmem>>
      %dma_wait3A_92 = arith.constant 0 : i32
      %dma_wait3A_93 = tpu.memref_slice %arg6[%dma_wait3A, %scan3A_86, %dma_wait3A_92] : memref<2x40x125xi32, #tpu.memory_space<vmem>> -> memref<1x1x125xi32, #tpu.memory_space<vmem>>
      %dma_wait3A_94 = tpu.memref_squeeze %dma_wait3A_93 : memref<1x1x125xi32, #tpu.memory_space<vmem>> -> memref<125xi32, #tpu.memory_space<vmem>>
      %dma_wait3A_95 = arith.constant 0 : i32
      %dma_wait3A_96 = arith.constant 0 : i32
      %dma_wait3A_97 = tpu.memref_slice %arg2[%dma_wait3A_95, %dma_wait3A_96] : memref<10240x128xf32, #tpu.memory_space<hbm>> -> memref<10240x128xf32, #tpu.memory_space<hbm>>
      tpu.wait_indirect_dma semaphore(%arg9 : memref<!tpu.dma_semaphore, #tpu.memory_space<semaphore_mem>>) src(%dma_wait3A_97 : memref<10240x128xf32, #tpu.memory_space<hbm>>) dst(%dma_wait3A_91 : memref<125x128xf32, #tpu.memory_space<vmem>>)
      %add3A_98 = arith.constant 1 : i32
      %add3A_99 = arith.addi %scan3A_86, %add3A_98 : i32
      %lt3A = arith.constant 40 : i32
      %lt3A_100 = arith.cmpi slt, %add3A_99, %lt3A : i32
      %convert_element_type3A = arith.extui %lt3A_100 : i1 to i32
      %cond3A = arith.constant 0 : i32
      %cond3A_101 = arith.cmpi ne, %convert_element_type3A, %cond3A : i32
      scf.if %cond3A_101 {
        %add3A_103 = arith.constant 1 : i32
        %add3A_104 = arith.addi %scan3A_86, %add3A_103 : i32
        %sub3A = arith.constant 1 : i32
        %sub3A_105 = arith.subi %sub3A, %rem3A_87 : i32
        %dma_start3A_106 = arith.constant 0 : i32
        %dma_start3A_107 = arith.constant 0 : i32
        %dma_start3A_108 = arith.constant 0 : i32
        %dma_start3A_109 = tpu.memref_slice %arg7[%sub3A_105, %dma_start3A_107, %dma_start3A_108] : memref<2x125x128xf32, #tpu.memory_space<vmem>> -> memref<1x125x128xf32, #tpu.memory_space<vmem>>
        %dma_start3A_110 = tpu.memref_squeeze %dma_start3A_109 : memref<1x125x128xf32, #tpu.memory_space<vmem>> -> memref<125x128xf32, #tpu.memory_space<vmem>>
        %dma_start3A_111 = arith.constant 0 : i32
        %dma_start3A_112 = tpu.memref_slice %arg6[%dma_start3A_106, %add3A_104, %dma_start3A_111] : memref<2x40x125xi32, #tpu.memory_space<vmem>> -> memref<1x1x125xi32, #tpu.memory_space<vmem>>
        %dma_start3A_113 = tpu.memref_squeeze %dma_start3A_112 : memref<1x1x125xi32, #tpu.memory_space<vmem>> -> memref<125xi32, #tpu.memory_space<vmem>>
        %dma_start3A_114 = arith.constant 0 : i32
        %dma_start3A_115 = arith.constant 0 : i32
        %dma_start3A_116 = tpu.memref_slice %arg2[%dma_start3A_114, %dma_start3A_115] : memref<10240x128xf32, #tpu.memory_space<hbm>> -> memref<10240x128xf32, #tpu.memory_space<hbm>>
        tpu.enqueue_indirect_dma source(%dma_start3A_116 : memref<10240x128xf32, #tpu.memory_space<hbm>>) target(%dma_start3A_110 : memref<125x128xf32, #tpu.memory_space<vmem>>) offsets(%dma_start3A_113 : memref<125xi32, #tpu.memory_space<vmem>>) semaphore(%arg9 : memref<!tpu.dma_semaphore, #tpu.memory_space<semaphore_mem>>)
      } else {
      }
      %run_scoped3A_102 = arith.constant 1 : i32
      "tpu.region"() ({
        %run_scoped3A_103 = tpu.sem_alloc : memref<!tpu.dma_semaphore, #tpu.memory_space<semaphore_mem>>
        %dma_start3A_104 = arith.constant 0 : i32
        %dma_start3A_105 = arith.constant 0 : i32
        %dma_start3A_106 = tpu.memref_slice %arg7[%rem3A_87, %dma_start3A_104, %dma_start3A_105] : memref<2x125x128xf32, #tpu.memory_space<vmem>> -> memref<1x125x128xf32, #tpu.memory_space<vmem>>
        %dma_start3A_107 = tpu.memref_squeeze %dma_start3A_106 : memref<1x125x128xf32, #tpu.memory_space<vmem>> -> memref<125x128xf32, #tpu.memory_space<vmem>>
        %dma_start3A_108 = arith.constant 0 : i32
        %dma_start3A_109 = tpu.memref_slice %arg6[%run_scoped3A_102, %scan3A_86, %dma_start3A_108] : memref<2x40x125xi32, #tpu.memory_space<vmem>> -> memref<1x1x125xi32, #tpu.memory_space<vmem>>
        %dma_start3A_110 = tpu.memref_squeeze %dma_start3A_109 : memref<1x1x125xi32, #tpu.memory_space<vmem>> -> memref<125xi32, #tpu.memory_space<vmem>>
        %dma_start3A_111 = arith.constant 0 : i32
        %dma_start3A_112 = arith.constant 0 : i32
        %dma_start3A_113 = tpu.memref_slice %arg8[%dma_start3A_111, %dma_start3A_112] : memref<10112x128xf32, #tpu.memory_space<vmem_shared>> -> memref<10112x128xf32, #tpu.memory_space<vmem_shared>>
        tpu.enqueue_indirect_dma source(%dma_start3A_107 : memref<125x128xf32, #tpu.memory_space<vmem>>) target(%dma_start3A_113 : memref<10112x128xf32, #tpu.memory_space<vmem_shared>>) offsets(%dma_start3A_110 : memref<125xi32, #tpu.memory_space<vmem>>) semaphore(%run_scoped3A_103 : memref<!tpu.dma_semaphore, #tpu.memory_space<semaphore_mem>>) {add = true}
        %dma_wait3A_114 = arith.constant 0 : i32
        %dma_wait3A_115 = arith.constant 0 : i32
        %dma_wait3A_116 = tpu.memref_slice %arg7[%rem3A_87, %dma_wait3A_114, %dma_wait3A_115] : memref<2x125x128xf32, #tpu.memory_space<vmem>> -> memref<1x125x128xf32, #tpu.memory_space<vmem>>
        %dma_wait3A_117 = tpu.memref_squeeze %dma_wait3A_116 : memref<1x125x128xf32, #tpu.memory_space<vmem>> -> memref<125x128xf32, #tpu.memory_space<vmem>>
        %dma_wait3A_118 = arith.constant 0 : i32
        %dma_wait3A_119 = tpu.memref_slice %arg6[%run_scoped3A_102, %scan3A_86, %dma_wait3A_118] : memref<2x40x125xi32, #tpu.memory_space<vmem>> -> memref<1x1x125xi32, #tpu.memory_space<vmem>>
        %dma_wait3A_120 = tpu.memref_squeeze %dma_wait3A_119 : memref<1x1x125xi32, #tpu.memory_space<vmem>> -> memref<125xi32, #tpu.memory_space<vmem>>
        %dma_wait3A_121 = arith.constant 0 : i32
        %dma_wait3A_122 = arith.constant 0 : i32
        %dma_wait3A_123 = tpu.memref_slice %arg8[%dma_wait3A_121, %dma_wait3A_122] : memref<10112x128xf32, #tpu.memory_space<vmem_shared>> -> memref<10112x128xf32, #tpu.memory_space<vmem_shared>>
        tpu.wait_indirect_dma semaphore(%run_scoped3A_103 : memref<!tpu.dma_semaphore, #tpu.memory_space<semaphore_mem>>) src(%dma_wait3A_117 : memref<125x128xf32, #tpu.memory_space<vmem>>) dst(%dma_wait3A_123 : memref<10112x128xf32, #tpu.memory_space<vmem_shared>>)
        tpu.yield
      }) : () -> ()
    }
    %scan3A_59 = arith.constant 40 : i32
    %run_scoped3A_60 = arith.constant 0 : i32
    "tpu.region"() ({
      %run_scoped3A_86 = tpu.sem_alloc : memref<!tpu.dma_semaphore, #tpu.memory_space<semaphore_mem>>
      %dma_start3A_87 = arith.constant 0 : i32
      %dma_start3A_88 = arith.constant 0 : i32
      %dma_start3A_89 = tpu.memref_slice %arg6[%run_scoped3A_60, %dma_start3A_87, %dma_start3A_88] : memref<2x40x125xi32, #tpu.memory_space<vmem>> -> memref<1x40x125xi32, #tpu.memory_space<vmem>>
      %dma_start3A_90 = tpu.memref_squeeze %dma_start3A_89 : memref<1x40x125xi32, #tpu.memory_space<vmem>> -> memref<40x125xi32, #tpu.memory_space<vmem>>
      %dma_start3A_91 = arith.constant 40 : i32
      %dma_start3A_92 = arith.constant 0 : i32
      %dma_start3A_93 = tpu.memref_slice %arg3[%add3A, %dma_start3A_91, %dma_start3A_92] : memref<32x80x125xi32, #tpu.memory_space<hbm>> -> memref<1x40x125xi32, #tpu.memory_space<hbm>>
      %dma_start3A_94 = tpu.memref_squeeze %dma_start3A_93 : memref<1x40x125xi32, #tpu.memory_space<hbm>> -> memref<40x125xi32, #tpu.memory_space<hbm>>
      %dma_start3A_95 = arith.constant 0 : i32
      %dma_start3A_96 = arith.constant 0 : i32
      %dma_start3A_97 = tpu.memref_slice %arg6[%run_scoped3A_60, %dma_start3A_95, %dma_start3A_96] : memref<2x40x125xi32, #tpu.memory_space<vmem>> -> memref<1x40x125xi32, #tpu.memory_space<vmem>>
      %dma_start3A_98 = tpu.memref_squeeze %dma_start3A_97 : memref<1x40x125xi32, #tpu.memory_space<vmem>> -> memref<40x125xi32, #tpu.memory_space<vmem>>
      %dma_start3A_99 = arith.constant 40 : i32
      %dma_start3A_100 = arith.constant 0 : i32
      %dma_start3A_101 = tpu.memref_slice %arg3[%add3A, %dma_start3A_99, %dma_start3A_100] : memref<32x80x125xi32, #tpu.memory_space<hbm>> -> memref<1x40x125xi32, #tpu.memory_space<hbm>>
      %dma_start3A_102 = tpu.memref_squeeze %dma_start3A_101 : memref<1x40x125xi32, #tpu.memory_space<hbm>> -> memref<40x125xi32, #tpu.memory_space<hbm>>
      tpu.enqueue_dma source(%dma_start3A_102 : memref<40x125xi32, #tpu.memory_space<hbm>>) target(%dma_start3A_98 : memref<40x125xi32, #tpu.memory_space<vmem>>) target_semaphore(%run_scoped3A_86 : memref<!tpu.dma_semaphore, #tpu.memory_space<semaphore_mem>>)
      %dma_wait3A = arith.constant 0 : i32
      %dma_wait3A_103 = arith.constant 0 : i32
      %dma_wait3A_104 = tpu.memref_slice %arg6[%run_scoped3A_60, %dma_wait3A, %dma_wait3A_103] : memref<2x40x125xi32, #tpu.memory_space<vmem>> -> memref<1x40x125xi32, #tpu.memory_space<vmem>>
      %dma_wait3A_105 = tpu.memref_squeeze %dma_wait3A_104 : memref<1x40x125xi32, #tpu.memory_space<vmem>> -> memref<40x125xi32, #tpu.memory_space<vmem>>
      %dma_wait3A_106 = arith.constant 40 : i32
      %dma_wait3A_107 = arith.constant 0 : i32
      %dma_wait3A_108 = tpu.memref_slice %arg3[%add3A, %dma_wait3A_106, %dma_wait3A_107] : memref<32x80x125xi32, #tpu.memory_space<hbm>> -> memref<1x40x125xi32, #tpu.memory_space<hbm>>
      %dma_wait3A_109 = tpu.memref_squeeze %dma_wait3A_108 : memref<1x40x125xi32, #tpu.memory_space<hbm>> -> memref<40x125xi32, #tpu.memory_space<hbm>>
      %dma_wait3A_110 = arith.constant 0 : i32
      %dma_wait3A_111 = arith.constant 0 : i32
      %dma_wait3A_112 = tpu.memref_slice %arg6[%run_scoped3A_60, %dma_wait3A_110, %dma_wait3A_111] : memref<2x40x125xi32, #tpu.memory_space<vmem>> -> memref<1x40x125xi32, #tpu.memory_space<vmem>>
      %dma_wait3A_113 = tpu.memref_squeeze %dma_wait3A_112 : memref<1x40x125xi32, #tpu.memory_space<vmem>> -> memref<40x125xi32, #tpu.memory_space<vmem>>
      %dma_wait3A_114 = arith.constant 40 : i32
      %dma_wait3A_115 = arith.constant 0 : i32
      %dma_wait3A_116 = tpu.memref_slice %arg3[%add3A, %dma_wait3A_114, %dma_wait3A_115] : memref<32x80x125xi32, #tpu.memory_space<hbm>> -> memref<1x40x125xi32, #tpu.memory_space<hbm>>
      %dma_wait3A_117 = tpu.memref_squeeze %dma_wait3A_116 : memref<1x40x125xi32, #tpu.memory_space<hbm>> -> memref<40x125xi32, #tpu.memory_space<hbm>>
      tpu.wait_dma2 semaphore(%run_scoped3A_86 : memref<!tpu.dma_semaphore, #tpu.memory_space<semaphore_mem>>) src(%dma_wait3A_117 : memref<40x125xi32, #tpu.memory_space<hbm>>) dst(%dma_wait3A_113 : memref<40x125xi32, #tpu.memory_space<vmem>>)
      tpu.yield
    }) : () -> ()
    %run_scoped3A_61 = arith.constant 1 : i32
    "tpu.region"() ({
      %run_scoped3A_86 = tpu.sem_alloc : memref<!tpu.dma_semaphore, #tpu.memory_space<semaphore_mem>>
      %dma_start3A_87 = arith.constant 0 : i32
      %dma_start3A_88 = arith.constant 0 : i32
      %dma_start3A_89 = tpu.memref_slice %arg6[%run_scoped3A_61, %dma_start3A_87, %dma_start3A_88] : memref<2x40x125xi32, #tpu.memory_space<vmem>> -> memref<1x40x125xi32, #tpu.memory_space<vmem>>
      %dma_start3A_90 = tpu.memref_squeeze %dma_start3A_89 : memref<1x40x125xi32, #tpu.memory_space<vmem>> -> memref<40x125xi32, #tpu.memory_space<vmem>>
      %dma_start3A_91 = arith.constant 40 : i32
      %dma_start3A_92 = arith.constant 0 : i32
      %dma_start3A_93 = tpu.memref_slice %arg4[%add3A, %dma_start3A_91, %dma_start3A_92] : memref<32x80x125xi32, #tpu.memory_space<hbm>> -> memref<1x40x125xi32, #tpu.memory_space<hbm>>
      %dma_start3A_94 = tpu.memref_squeeze %dma_start3A_93 : memref<1x40x125xi32, #tpu.memory_space<hbm>> -> memref<40x125xi32, #tpu.memory_space<hbm>>
      %dma_start3A_95 = arith.constant 0 : i32
      %dma_start3A_96 = arith.constant 0 : i32
      %dma_start3A_97 = tpu.memref_slice %arg6[%run_scoped3A_61, %dma_start3A_95, %dma_start3A_96] : memref<2x40x125xi32, #tpu.memory_space<vmem>> -> memref<1x40x125xi32, #tpu.memory_space<vmem>>
      %dma_start3A_98 = tpu.memref_squeeze %dma_start3A_97 : memref<1x40x125xi32, #tpu.memory_space<vmem>> -> memref<40x125xi32, #tpu.memory_space<vmem>>
      %dma_start3A_99 = arith.constant 40 : i32
      %dma_start3A_100 = arith.constant 0 : i32
      %dma_start3A_101 = tpu.memref_slice %arg4[%add3A, %dma_start3A_99, %dma_start3A_100] : memref<32x80x125xi32, #tpu.memory_space<hbm>> -> memref<1x40x125xi32, #tpu.memory_space<hbm>>
      %dma_start3A_102 = tpu.memref_squeeze %dma_start3A_101 : memref<1x40x125xi32, #tpu.memory_space<hbm>> -> memref<40x125xi32, #tpu.memory_space<hbm>>
      tpu.enqueue_dma source(%dma_start3A_102 : memref<40x125xi32, #tpu.memory_space<hbm>>) target(%dma_start3A_98 : memref<40x125xi32, #tpu.memory_space<vmem>>) target_semaphore(%run_scoped3A_86 : memref<!tpu.dma_semaphore, #tpu.memory_space<semaphore_mem>>)
      %dma_wait3A = arith.constant 0 : i32
      %dma_wait3A_103 = arith.constant 0 : i32
      %dma_wait3A_104 = tpu.memref_slice %arg6[%run_scoped3A_61, %dma_wait3A, %dma_wait3A_103] : memref<2x40x125xi32, #tpu.memory_space<vmem>> -> memref<1x40x125xi32, #tpu.memory_space<vmem>>
      %dma_wait3A_105 = tpu.memref_squeeze %dma_wait3A_104 : memref<1x40x125xi32, #tpu.memory_space<vmem>> -> memref<40x125xi32, #tpu.memory_space<vmem>>
      %dma_wait3A_106 = arith.constant 40 : i32
      %dma_wait3A_107 = arith.constant 0 : i32
      %dma_wait3A_108 = tpu.memref_slice %arg4[%add3A, %dma_wait3A_106, %dma_wait3A_107] : memref<32x80x125xi32, #tpu.memory_space<hbm>> -> memref<1x40x125xi32, #tpu.memory_space<hbm>>
      %dma_wait3A_109 = tpu.memref_squeeze %dma_wait3A_108 : memref<1x40x125xi32, #tpu.memory_space<hbm>> -> memref<40x125xi32, #tpu.memory_space<hbm>>
      %dma_wait3A_110 = arith.constant 0 : i32
      %dma_wait3A_111 = arith.constant 0 : i32
      %dma_wait3A_112 = tpu.memref_slice %arg6[%run_scoped3A_61, %dma_wait3A_110, %dma_wait3A_111] : memref<2x40x125xi32, #tpu.memory_space<vmem>> -> memref<1x40x125xi32, #tpu.memory_space<vmem>>
      %dma_wait3A_113 = tpu.memref_squeeze %dma_wait3A_112 : memref<1x40x125xi32, #tpu.memory_space<vmem>> -> memref<40x125xi32, #tpu.memory_space<vmem>>
      %dma_wait3A_114 = arith.constant 40 : i32
      %dma_wait3A_115 = arith.constant 0 : i32
      %dma_wait3A_116 = tpu.memref_slice %arg4[%add3A, %dma_wait3A_114, %dma_wait3A_115] : memref<32x80x125xi32, #tpu.memory_space<hbm>> -> memref<1x40x125xi32, #tpu.memory_space<hbm>>
      %dma_wait3A_117 = tpu.memref_squeeze %dma_wait3A_116 : memref<1x40x125xi32, #tpu.memory_space<hbm>> -> memref<40x125xi32, #tpu.memory_space<hbm>>
      tpu.wait_dma2 semaphore(%run_scoped3A_86 : memref<!tpu.dma_semaphore, #tpu.memory_space<semaphore_mem>>) src(%dma_wait3A_117 : memref<40x125xi32, #tpu.memory_space<hbm>>) dst(%dma_wait3A_113 : memref<40x125xi32, #tpu.memory_space<vmem>>)
      tpu.yield
    }) : () -> ()
    %dma_start3A_62 = arith.constant 0 : i32
    %dma_start3A_63 = arith.constant 0 : i32
    %dma_start3A_64 = arith.constant 0 : i32
    %dma_start3A_65 = arith.constant 0 : i32
    %dma_start3A_66 = arith.constant 0 : i32
    %dma_start3A_67 = tpu.memref_slice %arg7[%dma_start3A_64, %dma_start3A_65, %dma_start3A_66] : memref<2x125x128xf32, #tpu.memory_space<vmem>> -> memref<1x125x128xf32, #tpu.memory_space<vmem>>
    %dma_start3A_68 = tpu.memref_squeeze %dma_start3A_67 : memref<1x125x128xf32, #tpu.memory_space<vmem>> -> memref<125x128xf32, #tpu.memory_space<vmem>>
    %dma_start3A_69 = arith.constant 0 : i32
    %dma_start3A_70 = tpu.memref_slice %arg6[%dma_start3A_62, %dma_start3A_63, %dma_start3A_69] : memref<2x40x125xi32, #tpu.memory_space<vmem>> -> memref<1x1x125xi32, #tpu.memory_space<vmem>>
    %dma_start3A_71 = tpu.memref_squeeze %dma_start3A_70 : memref<1x1x125xi32, #tpu.memory_space<vmem>> -> memref<125xi32, #tpu.memory_space<vmem>>
    %dma_start3A_72 = arith.constant 0 : i32
    %dma_start3A_73 = arith.constant 0 : i32
    %dma_start3A_74 = tpu.memref_slice %arg2[%dma_start3A_72, %dma_start3A_73] : memref<10240x128xf32, #tpu.memory_space<hbm>> -> memref<10240x128xf32, #tpu.memory_space<hbm>>
    tpu.enqueue_indirect_dma source(%dma_start3A_74 : memref<10240x128xf32, #tpu.memory_space<hbm>>) target(%dma_start3A_68 : memref<125x128xf32, #tpu.memory_space<vmem>>) offsets(%dma_start3A_71 : memref<125xi32, #tpu.memory_space<vmem>>) semaphore(%arg9 : memref<!tpu.dma_semaphore, #tpu.memory_space<semaphore_mem>>)
    %scan3A_75 = arith.constant 0 : i32
    %scan3A_76 = arith.constant 0 : i32
    %scan3A_77 = arith.constant 40 : i32
    %scan3A_78 = arith.addi %scan3A_76, %scan3A_77 : i32
    %scan3A_79 = arith.constant 1 : i32
    scf.for %scan3A_86 = %scan3A_76 to %scan3A_78 step %scan3A_79  : i32 {
      %rem3A = arith.constant 2 : i32
      %rem3A_87 = arith.remsi %scan3A_86, %rem3A : i32
      %dma_wait3A = arith.constant 0 : i32
      %dma_wait3A_88 = arith.constant 0 : i32
      %dma_wait3A_89 = arith.constant 0 : i32
      %dma_wait3A_90 = tpu.memref_slice %arg7[%rem3A_87, %dma_wait3A_88, %dma_wait3A_89] : memref<2x125x128xf32, #tpu.memory_space<vmem>> -> memref<1x125x128xf32, #tpu.memory_space<vmem>>
      %dma_wait3A_91 = tpu.memref_squeeze %dma_wait3A_90 : memref<1x125x128xf32, #tpu.memory_space<vmem>> -> memref<125x128xf32, #tpu.memory_space<vmem>>
      %dma_wait3A_92 = arith.constant 0 : i32
      %dma_wait3A_93 = tpu.memref_slice %arg6[%dma_wait3A, %scan3A_86, %dma_wait3A_92] : memref<2x40x125xi32, #tpu.memory_space<vmem>> -> memref<1x1x125xi32, #tpu.memory_space<vmem>>
      %dma_wait3A_94 = tpu.memref_squeeze %dma_wait3A_93 : memref<1x1x125xi32, #tpu.memory_space<vmem>> -> memref<125xi32, #tpu.memory_space<vmem>>
      %dma_wait3A_95 = arith.constant 0 : i32
      %dma_wait3A_96 = arith.constant 0 : i32
      %dma_wait3A_97 = tpu.memref_slice %arg2[%dma_wait3A_95, %dma_wait3A_96] : memref<10240x128xf32, #tpu.memory_space<hbm>> -> memref<10240x128xf32, #tpu.memory_space<hbm>>
      tpu.wait_indirect_dma semaphore(%arg9 : memref<!tpu.dma_semaphore, #tpu.memory_space<semaphore_mem>>) src(%dma_wait3A_97 : memref<10240x128xf32, #tpu.memory_space<hbm>>) dst(%dma_wait3A_91 : memref<125x128xf32, #tpu.memory_space<vmem>>)
      %add3A_98 = arith.constant 1 : i32
      %add3A_99 = arith.addi %scan3A_86, %add3A_98 : i32
      %lt3A = arith.constant 40 : i32
      %lt3A_100 = arith.cmpi slt, %add3A_99, %lt3A : i32
      %convert_element_type3A = arith.extui %lt3A_100 : i1 to i32
      %cond3A = arith.constant 0 : i32
      %cond3A_101 = arith.cmpi ne, %convert_element_type3A, %cond3A : i32
      scf.if %cond3A_101 {
        %add3A_103 = arith.constant 1 : i32
        %add3A_104 = arith.addi %scan3A_86, %add3A_103 : i32
        %sub3A = arith.constant 1 : i32
        %sub3A_105 = arith.subi %sub3A, %rem3A_87 : i32
        %dma_start3A_106 = arith.constant 0 : i32
        %dma_start3A_107 = arith.constant 0 : i32
        %dma_start3A_108 = arith.constant 0 : i32
        %dma_start3A_109 = tpu.memref_slice %arg7[%sub3A_105, %dma_start3A_107, %dma_start3A_108] : memref<2x125x128xf32, #tpu.memory_space<vmem>> -> memref<1x125x128xf32, #tpu.memory_space<vmem>>
        %dma_start3A_110 = tpu.memref_squeeze %dma_start3A_109 : memref<1x125x128xf32, #tpu.memory_space<vmem>> -> memref<125x128xf32, #tpu.memory_space<vmem>>
        %dma_start3A_111 = arith.constant 0 : i32
        %dma_start3A_112 = tpu.memref_slice %arg6[%dma_start3A_106, %add3A_104, %dma_start3A_111] : memref<2x40x125xi32, #tpu.memory_space<vmem>> -> memref<1x1x125xi32, #tpu.memory_space<vmem>>
        %dma_start3A_113 = tpu.memref_squeeze %dma_start3A_112 : memref<1x1x125xi32, #tpu.memory_space<vmem>> -> memref<125xi32, #tpu.memory_space<vmem>>
        %dma_start3A_114 = arith.constant 0 : i32
        %dma_start3A_115 = arith.constant 0 : i32
        %dma_start3A_116 = tpu.memref_slice %arg2[%dma_start3A_114, %dma_start3A_115] : memref<10240x128xf32, #tpu.memory_space<hbm>> -> memref<10240x128xf32, #tpu.memory_space<hbm>>
        tpu.enqueue_indirect_dma source(%dma_start3A_116 : memref<10240x128xf32, #tpu.memory_space<hbm>>) target(%dma_start3A_110 : memref<125x128xf32, #tpu.memory_space<vmem>>) offsets(%dma_start3A_113 : memref<125xi32, #tpu.memory_space<vmem>>) semaphore(%arg9 : memref<!tpu.dma_semaphore, #tpu.memory_space<semaphore_mem>>)
      } else {
      }
      %run_scoped3A_102 = arith.constant 1 : i32
      "tpu.region"() ({
        %run_scoped3A_103 = tpu.sem_alloc : memref<!tpu.dma_semaphore, #tpu.memory_space<semaphore_mem>>
        %dma_start3A_104 = arith.constant 0 : i32
        %dma_start3A_105 = arith.constant 0 : i32
        %dma_start3A_106 = tpu.memref_slice %arg7[%rem3A_87, %dma_start3A_104, %dma_start3A_105] : memref<2x125x128xf32, #tpu.memory_space<vmem>> -> memref<1x125x128xf32, #tpu.memory_space<vmem>>
        %dma_start3A_107 = tpu.memref_squeeze %dma_start3A_106 : memref<1x125x128xf32, #tpu.memory_space<vmem>> -> memref<125x128xf32, #tpu.memory_space<vmem>>
        %dma_start3A_108 = arith.constant 0 : i32
        %dma_start3A_109 = tpu.memref_slice %arg6[%run_scoped3A_102, %scan3A_86, %dma_start3A_108] : memref<2x40x125xi32, #tpu.memory_space<vmem>> -> memref<1x1x125xi32, #tpu.memory_space<vmem>>
        %dma_start3A_110 = tpu.memref_squeeze %dma_start3A_109 : memref<1x1x125xi32, #tpu.memory_space<vmem>> -> memref<125xi32, #tpu.memory_space<vmem>>
        %dma_start3A_111 = arith.constant 0 : i32
        %dma_start3A_112 = arith.constant 0 : i32
        %dma_start3A_113 = tpu.memref_slice %arg8[%dma_start3A_111, %dma_start3A_112] : memref<10112x128xf32, #tpu.memory_space<vmem_shared>> -> memref<10112x128xf32, #tpu.memory_space<vmem_shared>>
        tpu.enqueue_indirect_dma source(%dma_start3A_107 : memref<125x128xf32, #tpu.memory_space<vmem>>) target(%dma_start3A_113 : memref<10112x128xf32, #tpu.memory_space<vmem_shared>>) offsets(%dma_start3A_110 : memref<125xi32, #tpu.memory_space<vmem>>) semaphore(%run_scoped3A_103 : memref<!tpu.dma_semaphore, #tpu.memory_space<semaphore_mem>>) {add = true}
        %dma_wait3A_114 = arith.constant 0 : i32
        %dma_wait3A_115 = arith.constant 0 : i32
        %dma_wait3A_116 = tpu.memref_slice %arg7[%rem3A_87, %dma_wait3A_114, %dma_wait3A_115] : memref<2x125x128xf32, #tpu.memory_space<vmem>> -> memref<1x125x128xf32, #tpu.memory_space<vmem>>
        %dma_wait3A_117 = tpu.memref_squeeze %dma_wait3A_116 : memref<1x125x128xf32, #tpu.memory_space<vmem>> -> memref<125x128xf32, #tpu.memory_space<vmem>>
        %dma_wait3A_118 = arith.constant 0 : i32
        %dma_wait3A_119 = tpu.memref_slice %arg6[%run_scoped3A_102, %scan3A_86, %dma_wait3A_118] : memref<2x40x125xi32, #tpu.memory_space<vmem>> -> memref<1x1x125xi32, #tpu.memory_space<vmem>>
        %dma_wait3A_120 = tpu.memref_squeeze %dma_wait3A_119 : memref<1x1x125xi32, #tpu.memory_space<vmem>> -> memref<125xi32, #tpu.memory_space<vmem>>
        %dma_wait3A_121 = arith.constant 0 : i32
        %dma_wait3A_122 = arith.constant 0 : i32
        %dma_wait3A_123 = tpu.memref_slice %arg8[%dma_wait3A_121, %dma_wait3A_122] : memref<10112x128xf32, #tpu.memory_space<vmem_shared>> -> memref<10112x128xf32, #tpu.memory_space<vmem_shared>>
        tpu.wait_indirect_dma semaphore(%run_scoped3A_103 : memref<!tpu.dma_semaphore, #tpu.memory_space<semaphore_mem>>) src(%dma_wait3A_117 : memref<125x128xf32, #tpu.memory_space<vmem>>) dst(%dma_wait3A_123 : memref<10112x128xf32, #tpu.memory_space<vmem_shared>>)
        tpu.yield
      }) : () -> ()
    }
    %scan3A_80 = arith.constant 40 : i32
    %barrier3A_81 = arith.constant 0 : index
    tpu.barrier barrier_id(%barrier3A_81)
    %mul3A_82 = arith.constant 632 : i32
    %mul3A_83 = arith.muli %arg1, %mul3A_82 : i32
    %mul3A_84 = arith.constant 632 : i32
    %mul3A_85 = arith.muli %arg1, %mul3A_84 : i32
    "tpu.region"() ({
      %run_scoped3A_86 = tpu.sem_alloc : memref<!tpu.dma_semaphore, #tpu.memory_space<semaphore_mem>>
      %dma_start3A_87 = arith.constant 0 : i32
      %dma_start3A_88 = tpu.memref_slice %arg5[%arg0, %mul3A_85, %dma_start3A_87] : memref<2x10240x128xf32, #tpu.memory_space<hbm>> -> memref<1x632x128xf32, #tpu.memory_space<hbm>>
      %dma_start3A_89 = tpu.memref_squeeze %dma_start3A_88 : memref<1x632x128xf32, #tpu.memory_space<hbm>> -> memref<632x128xf32, #tpu.memory_space<hbm>>
      %dma_start3A_90 = arith.constant 0 : i32
      %dma_start3A_91 = tpu.memref_slice %arg8[%mul3A_83, %dma_start3A_90] : memref<10112x128xf32, #tpu.memory_space<vmem_shared>> -> memref<632x128xf32, #tpu.memory_space<vmem_shared>>
      tpu.enqueue_dma source(%dma_start3A_91 : memref<632x128xf32, #tpu.memory_space<vmem_shared>>) target(%dma_start3A_89 : memref<632x128xf32, #tpu.memory_space<hbm>>) target_semaphore(%run_scoped3A_86 : memref<!tpu.dma_semaphore, #tpu.memory_space<semaphore_mem>>)
      %dma_wait3A = arith.constant 0 : i32
      %dma_wait3A_92 = tpu.memref_slice %arg5[%arg0, %mul3A_85, %dma_wait3A] : memref<2x10240x128xf32, #tpu.memory_space<hbm>> -> memref<1x632x128xf32, #tpu.memory_space<hbm>>
      %dma_wait3A_93 = tpu.memref_squeeze %dma_wait3A_92 : memref<1x632x128xf32, #tpu.memory_space<hbm>> -> memref<632x128xf32, #tpu.memory_space<hbm>>
      %dma_wait3A_94 = arith.constant 0 : i32
      %dma_wait3A_95 = tpu.memref_slice %arg8[%mul3A_83, %dma_wait3A_94] : memref<10112x128xf32, #tpu.memory_space<vmem_shared>> -> memref<632x128xf32, #tpu.memory_space<vmem_shared>>
      tpu.wait_dma2 semaphore(%run_scoped3A_86 : memref<!tpu.dma_semaphore, #tpu.memory_space<semaphore_mem>>) src(%dma_wait3A_95 : memref<632x128xf32, #tpu.memory_space<vmem_shared>>) dst(%dma_wait3A_93 : memref<632x128xf32, #tpu.memory_space<hbm>>)
      tpu.yield
    }) : () -> ()
    return
  }
}

#map = affine_map<(d0, d1) -> (0, 0)>
module attributes {stable_mosaic.version = 14 : i64} {
  func.func @_deg_kernel(%arg0: i32, %arg1: i32, %arg2: memref<32x10000xi32, #tpu.memory_space<hbm>>, %arg3: memref<32x10240xf32, #tpu.memory_space<hbm>>, %arg4: memref<10000xi32, #tpu.memory_space<vmem>>, %arg5: memref<10240xf32, #tpu.memory_space<vmem>>) attributes {dimension_semantics = [#tpu.dimension_semantics<core_parallel>, #tpu.dimension_semantics<subcore_parallel>], iteration_bounds = array<i64: 2, 16>, scalar_prefetch = 0 : i64, scratch_operands = 2 : i64, tpu.core_type = #tpu.core_type<sc_vector_subcore>, window_params = [{transform_indices = #map}, {transform_indices = #map}]} {
    %mul3A = arith.constant 2 : i32
    %mul3A_0 = arith.muli %arg1, %mul3A : i32
    %add3A = arith.addi %mul3A_0, %arg0 : i32
    %scan3A = arith.constant 0 : i32
    %scan3A_1 = arith.constant 0 : i32
    %scan3A_2 = arith.constant 640 : i32
    %scan3A_3 = arith.addi %scan3A_1, %scan3A_2 : i32
    %scan3A_4 = arith.constant 1 : i32
    scf.for %scan3A_13 = %scan3A_1 to %scan3A_3 step %scan3A_4  : i32 {
      %broadcast_in_dim3A_14 = arith.constant 0.000000e+00 : f32
      %broadcast_in_dim3A_15 = vector.broadcast %broadcast_in_dim3A_14 : f32 to vector<16xf32>
      %mul3A_16 = arith.constant 16 : i32
      %mul3A_17 = arith.muli %scan3A_13, %mul3A_16 : i32
      %swap3A = arith.index_cast %mul3A_17 : i32 to index
      %swap3A_18 = tpu.vector_load %arg5[%swap3A] {strides = array<i32>} : memref<10240xf32, #tpu.memory_space<vmem>>, vector<16xf32>,
      tpu.vector_store %arg5[%swap3A], %broadcast_in_dim3A_15 {strides = array<i32>} : memref<10240xf32, #tpu.memory_space<vmem>>, vector<16xf32>,
    }
    %scan3A_5 = arith.constant 640 : i32
    "tpu.region"() ({
      %run_scoped3A = tpu.sem_alloc : memref<!tpu.dma_semaphore, #tpu.memory_space<semaphore_mem>>
      %dma_start3A = arith.constant 0 : i32
      %dma_start3A_13 = tpu.memref_slice %arg2[%add3A, %dma_start3A] : memref<32x10000xi32, #tpu.memory_space<hbm>> -> memref<1x10000xi32, #tpu.memory_space<hbm>>
      %dma_start3A_14 = tpu.memref_squeeze %dma_start3A_13 : memref<1x10000xi32, #tpu.memory_space<hbm>> -> memref<10000xi32, #tpu.memory_space<hbm>>
      %dma_start3A_15 = arith.constant 0 : i32
      %dma_start3A_16 = tpu.memref_slice %arg2[%add3A, %dma_start3A_15] : memref<32x10000xi32, #tpu.memory_space<hbm>> -> memref<1x10000xi32, #tpu.memory_space<hbm>>
      %dma_start3A_17 = tpu.memref_squeeze %dma_start3A_16 : memref<1x10000xi32, #tpu.memory_space<hbm>> -> memref<10000xi32, #tpu.memory_space<hbm>>
      tpu.enqueue_dma source(%dma_start3A_17 : memref<10000xi32, #tpu.memory_space<hbm>>) target(%arg4 : memref<10000xi32, #tpu.memory_space<vmem>>) target_semaphore(%run_scoped3A : memref<!tpu.dma_semaphore, #tpu.memory_space<semaphore_mem>>)
      %dma_wait3A = arith.constant 0 : i32
      %dma_wait3A_18 = tpu.memref_slice %arg2[%add3A, %dma_wait3A] : memref<32x10000xi32, #tpu.memory_space<hbm>> -> memref<1x10000xi32, #tpu.memory_space<hbm>>
      %dma_wait3A_19 = tpu.memref_squeeze %dma_wait3A_18 : memref<1x10000xi32, #tpu.memory_space<hbm>> -> memref<10000xi32, #tpu.memory_space<hbm>>
      %dma_wait3A_20 = arith.constant 0 : i32
      %dma_wait3A_21 = tpu.memref_slice %arg2[%add3A, %dma_wait3A_20] : memref<32x10000xi32, #tpu.memory_space<hbm>> -> memref<1x10000xi32, #tpu.memory_space<hbm>>
      %dma_wait3A_22 = tpu.memref_squeeze %dma_wait3A_21 : memref<1x10000xi32, #tpu.memory_space<hbm>> -> memref<10000xi32, #tpu.memory_space<hbm>>
      tpu.wait_dma2 semaphore(%run_scoped3A : memref<!tpu.dma_semaphore, #tpu.memory_space<semaphore_mem>>) src(%dma_wait3A_22 : memref<10000xi32, #tpu.memory_space<hbm>>) dst(%arg4 : memref<10000xi32, #tpu.memory_space<vmem>>)
      tpu.yield
    }) : () -> ()
    %broadcast_in_dim3A = arith.constant 1.000000e+00 : f32
    %broadcast_in_dim3A_6 = vector.broadcast %broadcast_in_dim3A : f32 to vector<16xf32>
    %scan3A_7 = arith.constant 0 : i32
    %scan3A_8 = arith.constant 0 : i32
    %scan3A_9 = arith.constant 625 : i32
    %scan3A_10 = arith.addi %scan3A_8, %scan3A_9 : i32
    %scan3A_11 = arith.constant 1 : i32
    scf.for %scan3A_13 = %scan3A_8 to %scan3A_10 step %scan3A_11  : i32 {
      %mul3A_14 = arith.constant 16 : i32
      %mul3A_15 = arith.muli %scan3A_13, %mul3A_14 : i32
      %get3A = arith.index_cast %mul3A_15 : i32 to index
      %get3A_16 = tpu.vector_load %arg4[%get3A] {strides = array<i32>} : memref<10000xi32, #tpu.memory_space<vmem>>, vector<16xi32>,
      tpu.vector_store_idx %arg5[%get3A_16], %broadcast_in_dim3A_6 {add = true} : memref<10240xf32, #tpu.memory_space<vmem>>[vector<16xi32>], vector<16xf32>,
    }
    %scan3A_12 = arith.constant 625 : i32
    "tpu.region"() ({
      %run_scoped3A = tpu.sem_alloc : memref<!tpu.dma_semaphore, #tpu.memory_space<semaphore_mem>>
      %dma_start3A = arith.constant 0 : i32
      %dma_start3A_13 = tpu.memref_slice %arg3[%add3A, %dma_start3A] : memref<32x10240xf32, #tpu.memory_space<hbm>> -> memref<1x10240xf32, #tpu.memory_space<hbm>>
      %dma_start3A_14 = tpu.memref_squeeze %dma_start3A_13 : memref<1x10240xf32, #tpu.memory_space<hbm>> -> memref<10240xf32, #tpu.memory_space<hbm>>
      %dma_start3A_15 = arith.constant 0 : i32
      %dma_start3A_16 = tpu.memref_slice %arg3[%add3A, %dma_start3A_15] : memref<32x10240xf32, #tpu.memory_space<hbm>> -> memref<1x10240xf32, #tpu.memory_space<hbm>>
      %dma_start3A_17 = tpu.memref_squeeze %dma_start3A_16 : memref<1x10240xf32, #tpu.memory_space<hbm>> -> memref<10240xf32, #tpu.memory_space<hbm>>
      tpu.enqueue_dma source(%arg5 : memref<10240xf32, #tpu.memory_space<vmem>>) target(%dma_start3A_17 : memref<10240xf32, #tpu.memory_space<hbm>>) target_semaphore(%run_scoped3A : memref<!tpu.dma_semaphore, #tpu.memory_space<semaphore_mem>>)
      %dma_wait3A = arith.constant 0 : i32
      %dma_wait3A_18 = tpu.memref_slice %arg3[%add3A, %dma_wait3A] : memref<32x10240xf32, #tpu.memory_space<hbm>> -> memref<1x10240xf32, #tpu.memory_space<hbm>>
      %dma_wait3A_19 = tpu.memref_squeeze %dma_wait3A_18 : memref<1x10240xf32, #tpu.memory_space<hbm>> -> memref<10240xf32, #tpu.memory_space<hbm>>
      %dma_wait3A_20 = arith.constant 0 : i32
      %dma_wait3A_21 = tpu.memref_slice %arg3[%add3A, %dma_wait3A_20] : memref<32x10240xf32, #tpu.memory_space<hbm>> -> memref<1x10240xf32, #tpu.memory_space<hbm>>
      %dma_wait3A_22 = tpu.memref_squeeze %dma_wait3A_21 : memref<1x10240xf32, #tpu.memory_space<hbm>> -> memref<10240xf32, #tpu.memory_space<hbm>>
      tpu.wait_dma2 semaphore(%run_scoped3A : memref<!tpu.dma_semaphore, #tpu.memory_space<semaphore_mem>>) src(%arg5 : memref<10240xf32, #tpu.memory_space<vmem>>) dst(%dma_wait3A_22 : memref<10240xf32, #tpu.memory_space<hbm>>)
      tpu.yield
    }) : () -> ()
    return
  }
}

module attributes {stable_mosaic.version = 14 : i64} {
  func.func @_scale_body(%arg0: i32, %arg1: memref<2048x128xf32, #tpu.memory_space<vmem>>, %arg2: memref<128x128xf32, #tpu.memory_space<vmem>>, %arg3: memref<32x2048xf32, #tpu.memory_space<vmem>>, %arg4: memref<2048x128xf32, #tpu.memory_space<vmem>>, %arg5: memref<2048x1xf32, #tpu.memory_space<vmem>>) attributes {dimension_semantics = [#tpu.dimension_semantics<arbitrary>], iteration_bounds = array<i64: 5>, scalar_prefetch = 0 : i64, scratch_operands = 0 : i64, tpu.core_type = #tpu.core_type<tc>, window_params = [{transform_indices = @transform_0, window_bounds = array<i64: 2048, 128>}, {pipeline_mode = #tpu.pipeline_mode<synchronous>, transform_indices = @transform_1, window_bounds = array<i64: 128, 128>}, {transform_indices = @transform_2, window_bounds = array<i64: 32, 2048>}, {transform_indices = @transform_3, window_bounds = array<i64: 2048, 128>}, {transform_indices = @transform_4, window_bounds = array<i64: 2048, 1>}]} {
    %get3A = arith.constant 0 : index
    %get3A_0 = arith.constant 0 : index
    %get3A_1 = vector.load %arg3[%get3A, %get3A_0] : memref<32x2048xf32, #tpu.memory_space<vmem>>, vector<32x2048xf32>
    %reduce_sum3A = arith.constant dense<0.000000e+00> : vector<2048xf32>
    %reduce_sum3A_2 = vector.multi_reduction <add>, %get3A_1, %reduce_sum3A [0] : vector<32x2048xf32> to vector<2048xf32>
    %add3A = arith.constant 1.000000e+00 : f32
    %add3A_3 = vector.broadcast %add3A : f32 to vector<2048xf32>
    %add3A_4 = arith.addf %reduce_sum3A_2, %add3A_3 : vector<2048xf32>
    %rsqrt3A = math.rsqrt %add3A_4 : vector<2048xf32>
    %broadcast_in_dim3A = vector.shape_cast %rsqrt3A : vector<2048xf32> to vector<2048x1xf32>
    %get3A_5 = arith.constant 0 : index
    %get3A_6 = arith.constant 0 : index
    %get3A_7 = vector.load %arg1[%get3A_5, %get3A_6] : memref<2048x128xf32, #tpu.memory_space<vmem>>, vector<2048x128xf32>
    %get3A_8 = arith.constant 0 : index
    %get3A_9 = arith.constant 0 : index
    %get3A_10 = vector.load %arg2[%get3A_8, %get3A_9] : memref<128x128xf32, #tpu.memory_space<vmem>>, vector<128x128xf32>
    %dot_general3A = arith.constant dense<0.000000e+00> : vector<2048x128xf32>
    %dot_general3A_11 = tpu.matmul %get3A_7, %get3A_10, %dot_general3A {dimension_numbers = #tpu.dot_dimension_numbers<[1], [0], [0], [1], [0, 0, 1, 1], [], []>, transpose_lhs_hint = false} : vector<2048x128xf32>, vector<128x128xf32>, vector<2048x128xf32> -> vector<2048x128xf32>
    %mul3A = vector.broadcast %broadcast_in_dim3A : vector<2048x1xf32> to vector<2048x128xf32>
    %mul3A_12 = arith.mulf %dot_general3A_11, %mul3A : vector<2048x128xf32>
    %swap3A = arith.constant 0 : index
    %swap3A_13 = arith.constant 0 : index
    %swap3A_14 = vector.load %arg4[%swap3A, %swap3A_13] : memref<2048x128xf32, #tpu.memory_space<vmem>>, vector<2048x128xf32>
    tpu.vector_store %arg4[%swap3A, %swap3A_13], %mul3A_12 {strides = array<i32>} : memref<2048x128xf32, #tpu.memory_space<vmem>>, vector<2048x128xf32>,
    %swap3A_15 = arith.constant 0 : index
    %swap3A_16 = arith.constant 0 : index
    %swap3A_17 = vector.load %arg5[%swap3A_15, %swap3A_16] : memref<2048x1xf32, #tpu.memory_space<vmem>>, vector<2048x1xf32>
    tpu.vector_store %arg5[%swap3A_15, %swap3A_16], %broadcast_in_dim3A {strides = array<i32>} : memref<2048x1xf32, #tpu.memory_space<vmem>>, vector<2048x1xf32>,
    return
  }
  func.func @transform_0(%arg0: i32) -> (i32, i32) {
    %c0_i32 = arith.constant 0 : i32
    %c0_i32_0 = arith.constant 0 : i32
    return %arg0, %c0_i32 : i32, i32
  }
  func.func @transform_1(%arg0: i32) -> (i32, i32) {
    %c0_i32 = arith.constant 0 : i32
    %c0_i32_0 = arith.constant 0 : i32
    %c0_i32_1 = arith.constant 0 : i32
    return %c0_i32, %c0_i32_0 : i32, i32
  }
  func.func @transform_2(%arg0: i32) -> (i32, i32) {
    %c0_i32 = arith.constant 0 : i32
    %c0_i32_0 = arith.constant 0 : i32
    return %c0_i32, %arg0 : i32, i32
  }
  func.func @transform_3(%arg0: i32) -> (i32, i32) {
    %c0_i32 = arith.constant 0 : i32
    %c0_i32_0 = arith.constant 0 : i32
    return %arg0, %c0_i32 : i32, i32
  }
  func.func @transform_4(%arg0: i32) -> (i32, i32) {
    %c0_i32 = arith.constant 0 : i32
    %c0_i32_0 = arith.constant 0 : i32
    return %arg0, %c0_i32 : i32, i32
  }
}

module attributes {stable_mosaic.version = 14 : i64} {
  func.func @_combine_body(%arg0: i32, %arg1: memref<2x2048x128xf32, #tpu.memory_space<vmem>>, %arg2: memref<2048x128xf32, #tpu.memory_space<vmem>>, %arg3: memref<2048x1xf32, #tpu.memory_space<vmem>>, %arg4: memref<1x128xf32, #tpu.memory_space<vmem>>, %arg5: memref<2048x128xf32, #tpu.memory_space<vmem>>) attributes {dimension_semantics = [#tpu.dimension_semantics<arbitrary>], iteration_bounds = array<i64: 5>, scalar_prefetch = 0 : i64, scratch_operands = 0 : i64, tpu.core_type = #tpu.core_type<tc>, window_params = [{transform_indices = @transform_0, window_bounds = array<i64: 2, 2048, 128>}, {transform_indices = @transform_1, window_bounds = array<i64: 2048, 128>}, {transform_indices = @transform_2, window_bounds = array<i64: 2048, 1>}, {pipeline_mode = #tpu.pipeline_mode<synchronous>, transform_indices = @transform_3, window_bounds = array<i64: 1, 128>}, {transform_indices = @transform_4, window_bounds = array<i64: 2048, 128>}]} {
    %get3A = arith.constant 0 : index
    %get3A_0 = arith.constant 0 : index
    %get3A_1 = vector.load %arg3[%get3A, %get3A_0] : memref<2048x1xf32, #tpu.memory_space<vmem>>, vector<2048x1xf32>
    %get3A_2 = arith.constant 0 : index
    %get3A_3 = arith.constant 0 : index
    %get3A_4 = arith.constant 0 : index
    %get3A_5 = vector.load %arg1[%get3A_2, %get3A_3, %get3A_4] : memref<2x2048x128xf32, #tpu.memory_space<vmem>>, vector<1x2048x128xf32>
    %get3A_6 = vector.shape_cast %get3A_5 : vector<1x2048x128xf32> to vector<2048x128xf32>
    %get3A_7 = arith.constant 1 : index
    %get3A_8 = arith.constant 0 : index
    %get3A_9 = arith.constant 0 : index
    %get3A_10 = vector.load %arg1[%get3A_7, %get3A_8, %get3A_9] : memref<2x2048x128xf32, #tpu.memory_space<vmem>>, vector<1x2048x128xf32>
    %get3A_11 = vector.shape_cast %get3A_10 : vector<1x2048x128xf32> to vector<2048x128xf32>
    %add3A = arith.addf %get3A_6, %get3A_11 : vector<2048x128xf32>
    %get3A_12 = arith.constant 0 : index
    %get3A_13 = arith.constant 0 : index
    %get3A_14 = vector.load %arg2[%get3A_12, %get3A_13] : memref<2048x128xf32, #tpu.memory_space<vmem>>, vector<2048x128xf32>
    %add3A_15 = arith.addf %add3A, %get3A_14 : vector<2048x128xf32>
    %mul3A = vector.broadcast %get3A_1 : vector<2048x1xf32> to vector<2048x128xf32>
    %mul3A_16 = arith.mulf %mul3A, %add3A_15 : vector<2048x128xf32>
    %get3A_17 = arith.constant 0 : index
    %get3A_18 = arith.constant 0 : index
    %get3A_19 = vector.load %arg4[%get3A_17, %get3A_18] : memref<1x128xf32, #tpu.memory_space<vmem>>, vector<1x128xf32>
    %add3A_20 = vector.broadcast %get3A_19 : vector<1x128xf32> to vector<2048x128xf32>
    %add3A_21 = arith.addf %mul3A_16, %add3A_20 : vector<2048x128xf32>
    %swap3A = arith.constant 0 : index
    %swap3A_22 = arith.constant 0 : index
    %swap3A_23 = vector.load %arg5[%swap3A, %swap3A_22] : memref<2048x128xf32, #tpu.memory_space<vmem>>, vector<2048x128xf32>
    tpu.vector_store %arg5[%swap3A, %swap3A_22], %add3A_21 {strides = array<i32>} : memref<2048x128xf32, #tpu.memory_space<vmem>>, vector<2048x128xf32>,
    return
  }
  func.func @transform_0(%arg0: i32) -> (i32, i32, i32) {
    %c0_i32 = arith.constant 0 : i32
    %c0_i32_0 = arith.constant 0 : i32
    %c0_i32_1 = arith.constant 0 : i32
    return %c0_i32, %arg0, %c0_i32_0 : i32, i32, i32
  }
  func.func @transform_1(%arg0: i32) -> (i32, i32) {
    %c0_i32 = arith.constant 0 : i32
    %c0_i32_0 = arith.constant 0 : i32
    return %arg0, %c0_i32 : i32, i32
  }
  func.func @transform_2(%arg0: i32) -> (i32, i32) {
    %c0_i32 = arith.constant 0 : i32
    %c0_i32_0 = arith.constant 0 : i32
    return %arg0, %c0_i32 : i32, i32
  }
  func.func @transform_3(%arg0: i32) -> (i32, i32) {
    %c0_i32 = arith.constant 0 : i32
    %c0_i32_0 = arith.constant 0 : i32
    %c0_i32_1 = arith.constant 0 : i32
    return %c0_i32, %c0_i32_0 : i32, i32
  }
  func.func @transform_4(%arg0: i32) -> (i32, i32) {
    %c0_i32 = arith.constant 0 : i32
    %c0_i32_0 = arith.constant 0 : i32
    return %arg0, %c0_i32 : i32, i32
  }
}

</mosaic_0001>

<sc_bundles>
// kernel: kernel.6.cloned.1.call-start
scs
__scs_entry_jumppad:
0x0: {  	(pc) =	sbr.rel $0x88, $3  }
0x1: {  	(tag) =	ssettag $0x0;
	lr =	simm.s32 $0x1  }
0x2: {  	[smem:$0x3F9D] =	sst lr;
	_ =	strace $0xD0000000  }
0x3: {  	_ = 	snop  }
0x4: {  	_ = 	snop  }
0x5: {  	_ = 	snop  }
0x6: {  	_ = 	snop  }
0x7: {  	_ = 	snop  }
__scs_overlays_trampoline_lowered:
0x8: {  	[smem:$0x3FAC] =	sst s0  }
0x9: {  	[smem:$0x3FAD] =	sst s1  }
0xa: {  	[smem:$0x3FAE] =	sst s2  }
0xb: {  	[smem:$0x3FAF] =	sst s3  }
0xc: {  	[smem:$0x3FB0] =	sst s4  }
0xd: {  	[smem:$0x3FB1] =	sst s5  }
0xe: {  	[smem:$0x3FB2] =	sst s6  }
0xf: {  	[smem:$0x3FB3] =	sst s7  }
0x10: {  	[smem:$0x3FB4] =	sst s8  }
0x11: {  	[smem:$0x3FB5] =	sst s9;
	s0 =	simm.s32 @!p0 $0x0  }
0x12: {  	s1 =	sld [smem:$0x3F9B];
	s0 =	simm.s32 @p0 $0x1  }
0x13: {  	[smem:$0x3FB6] =	sst s0;
	s0 =	simm.s32 @!p1 $0x0  }
0x14: {  	s2 =	sld [smem:$0x3F9A];
	s0 =	simm.s32 @p1 $0x1  }
0x15: {  	[smem:$0x3FB7] =	sst s0;
	s0 =	simm.s32 @!p2 $0x0  }
0x16: {  	s3 =	sld [smem:$0x3FDB];
	s0 =	simm.s32 @p2 $0x1  }
0x17: {  	s4 =	simm.s32 $0x1BF5;
	[smem:$0x3FB9] =	sst s0  }
0x18: {  	s0 =	sld [smem:$0x3F9C];
	_ =	swait.ge [sflag:s4], $0x0  }
0x19: {  	s7 =	sld [smem:$0x3F9D]  }
0x1a: {  	s8 =	sadd.s32 $0xFFFFE003, lr  }
0x1b: {  	s9 =	sadd.s32 $0xFFFFFEF7, lr;
	s5 =	simm.s32 $0xFFFFFFFF;
	p2 =	slt.u32 s8, $0xFFFFF086  }
0x1c: {  	p1 =	slt.u32 s9, $0xF7A;
	s5 =	simm.s32 @!p2 $0x0  }
0x1d: {  	s5 =	simm.s32 @p1 $0x1;
	p0 =	seq.s32 s7, s2  }
0x1e: {  	s7 =	smul.u32 @!p0 $0xF7A, s2;
	p2 =	seq.s32 @!p0 s5, $0x0  }
0x1f: {  	s9 =	smul.u32 $0xF7A, s1;
	s8 =	simm.s32 @!p0 $0x1BF5;
	p2 =	por !p2, p0  }
0x20: {  	[sflag:s8] =	ssyncset.s32 @!p0 $0xFFFFF086;
	s6 =	sadd.s32 @!p0 s3, s7;
	s7 =	simm.s32 @!p0 $0x108  }
0x21: {  	s3 =	sadd.s32 s3, s9;
	s6 =	sadd.s32 @!p0 $0x88, s6;
	s7 =	simm.s32 @p2 $0x1082  }
0x22: {  	[simem:s7], [sflag:s8] =	dma.local @!p0 [hbm:s6], $0xF7A  }
0x23: {  	s9 =	sor.u32 $0xD0000000, s2;
	s6 =	simm.s32 $0x108;
	_ =	swait.ge @!p0 [sflag:s8], $0x0  }
0x24: {  	s3 =	sadd.s32 $0x88, s3;
	s6 =	simm.s32 @!p1 $0x1082;
	[sflag:s4] =	ssyncset.s32 $0xFFFFF086  }
0x25: {  	[simem:s6], [sflag:s4] =	dma.local [hbm:s3], $0xF7A  }
0x26: {  	[smem:$0x3F9D] =	sst s1;
	(tag) =	ssettag s2;
	_ =	strace s9  }
0x27: {  	s1 =	sld [smem:$0x3FAD]  }
0x28: {  	s2 =	sld [smem:$0x3FAE]  }
0x29: {  	s4 =	sld [smem:$0x3FB0]  }
0x2a: {  	p0 =	seq.s32 s5, $0x0;
	s5 =	sld [smem:$0x3FB1]  }
0x2b: {  	s6 =	sld [smem:$0x3FB2]  }
0x2c: {  	s7 =	sld [smem:$0x3FB3]  }
0x2d: {  	s3 =	simm.s32 $0x108;
	s8 =	sld [smem:$0x3FB4]  }
0x2e: {  	s3 =	simm.s32 @!p0 $0x1082;
	s9 =	sld [smem:$0x3FB5]  }
0x2f: {  	lr =	sadd.s32 s0, s3;
	s0 =	sld [smem:$0x3FAC]  }
0x30: {  	s3 =	sld [smem:$0x3FAF]  }
0x31: {  	[smem:$0x3FB8] =	sst s10  }
0x32: {  	s10 =	sld [smem:$0x3FB6];
	_ =	sdelay $0x3  }
0x33: {  	p0 =	seq.s32 s10, $0x1;
	s10 =	sld [smem:$0x3FB8];
	_ =	sdelay $0x3  }
0x34: {  	[smem:$0x3FB8] =	sst s10  }
0x35: {  	s10 =	sld [smem:$0x3FB7];
	_ =	sdelay $0x3  }
0x36: {  	p1 =	seq.s32 s10, $0x1;
	s10 =	sld [smem:$0x3FB8];
	_ =	sdelay $0x3  }
0x37: {  	[smem:$0x3FB8] =	sst s10  }
0x38: {  	s10 =	sld [smem:$0x3FB9]  }
0x39: {  	_ = 	snop;
	(pc) =	sbr.ind lr, $3  }
0x3a: {  	_ = 	snop  }
0x3b: {  	_ = 	snop  }
0x3c: {  	p2 =	seq.s32 s10, $0x1;
	s10 =	sld [smem:$0x3FB8]  }
0x3d: {  	_ =	shalt  }
0x3e: {  	_ =	shalt  }
0x3f: {  	_ =	shalt  }
0x40: {  	_ =	shalt  }
0x41: {  	_ =	shalt  }
0x42: {  	_ =	shalt  }
0x43: {  	_ =	shalt  }
0x44: {  	_ =	shalt  }
0x45: {  	_ =	shalt  }
0x46: {  	_ =	shalt  }
0x47: {  	_ =	shalt  }
0x48: {  	_ =	shalt  }
0x49: {  	_ =	shalt  }
0x4a: {  	_ =	shalt  }
0x4b: {  	_ =	shalt  }
0x4c: {  	_ =	shalt  }
0x4d: {  	_ =	shalt  }
0x4e: {  	_ =	shalt  }
0x4f: {  	_ =	shalt  }
0x50: {  	_ =	shalt  }
0x51: {  	_ =	shalt  }
0x52: {  	_ =	shalt  }
0x53: {  	_ =	shalt  }
0x54: {  	_ =	shalt  }
0x55: {  	_ =	shalt  }
0x56: {  	_ =	shalt  }
0x57: {  	_ =	shalt  }
0x58: {  	_ =	shalt  }
0x59: {  	_ =	shalt  }
0x5a: {  	_ =	shalt  }
0x5b: {  	_ =	shalt  }
0x5c: {  	_ =	shalt  }
0x5d: {  	_ =	shalt  }
0x5e: {  	_ =	shalt  }
0x5f: {  	_ =	shalt  }
0x60: {  	_ =	shalt  }
0x61: {  	_ =	shalt  }
0x62: {  	_ =	shalt  }
0x63: {  	_ =	shalt  }
0x64: {  	_ =	shalt  }
0x65: {  	_ =	shalt  }
0x66: {  	_ =	shalt  }
0x67: {  	_ =	shalt  }
0x68: {  	_ =	shalt  }
0x69: {  	_ =	shalt  }
0x6a: {  	_ =	shalt  }
0x6b: {  	_ =	shalt  }
0x6c: {  	_ =	shalt  }
0x6d: {  	_ =	shalt  }
0x6e: {  	_ =	shalt  }
0x6f: {  	_ =	shalt  }
0x70: {  	_ =	shalt  }
0x71: {  	_ =	shalt  }
0x72: {  	_ =	shalt  }
0x73: {  	_ =	shalt  }
0x74: {  	_ =	shalt  }
0x75: {  	_ =	shalt  }
0x76: {  	_ =	shalt  }
0x77: {  	_ =	shalt  }
0x78: {  	_ =	shalt  }
0x79: {  	_ =	shalt  }
0x7a: {  	_ =	shalt  }
0x7b: {  	_ =	shalt  }
0x7c: {  	_ =	shalt  }
0x7d: {  	_ =	shalt  }
0x7e: {  	_ =	shalt  }
0x7f: {  	_ =	shalt  }
0x80: {  	_ =	shalt  }
0x81: {  	_ =	shalt  }
0x82: {  	_ =	shalt  }
0x83: {  	_ =	shalt  }
0x84: {  	_ =	shalt  }
0x85: {  	_ =	shalt  }
0x86: {  	_ =	shalt  }
0x87: {  	_ =	shalt  }
.Lfunc_end0:
.L_simem_size_0:
called_computation_lowered:
.L_overlay_start_0:
0x88: {  	s2 =	sld [smem:$0x3FD9]  }
0x89: {  	s3 =	sld [smem:$0x3FFE];
	_ =	sdelay $0x1  }
0x8a: {  	s1 =	srdreg.scid  }
0x8b: {  	s0 =	sand.u32 $0x1, s1  }
0x8c: {  	s16 =	sshll.u32 s0, $0xA;
	s2 =	sadd.s32 s3, s2  }
0x8d: {  	s2 =	sadd.s32 s2, s16  }
0x8e: {  	[smem:$0x3FC4] =	sst s2  }
0x8f: {  	_ = 	snop  }
0x90: {  	(tm) =	ssettm $0x1  }
0x91: {  	s17 =	sld [smem:$0x3FFB];
	_ =	sdelay $0x3  }
0x92: {  	_ =	strace s17  }
0x93: {  	s2 =	sld [smem:$0x3FFC];
	_ =	sdelay $0x3  }
0x94: {  	_ =	strace s2  }
0x95: {  	s2 =	sld [smem:$0x3FFD];
	_ =	sdelay $0x3  }
0x96: {  	_ =	strace s2  }
0x97: {  	_ =	strace $0x8FFFFFFF  }
0x98: {  	s18 =	sld [smem:$0x3FDB];
	_ =	sdelay $0x1  }
0x99: {  	s19 =	simm.s32 $_scs_section_size  }
0x9a: {  	s4 =	simm.s32 $_size__tile_overlayer_lowered;
	s5 =	simm.s32 $_tile_overlayer_lowered  }
0x9b: {  	s22 =	simm.s32 $0x1BFF;
	s21 =	sshll.u32 s5, $0x1;
	s2 =	sadd.s32 s19, s18  }
0x9c: {  	s6 =	simm.s32 $0x0;
	s20 =	sshll.u32 s4, $0x1;
	s4 =	sadd.s32 s21, s2  }
0x9d: {  	[timem:s6], [sflag:s22] =	dma.local [hbm:s4], s20  }
0x9e: {  	_ =	swait.ge [sflag:s22], s20  }
0x9f: {  	s3 =	ssub.s32 $0x0, s20;
	[sflag:s22] =	ssyncset.done $0x0  }
0xa0: {  	[sflag:s22] =	ssyncadd.s32 s3;
	_ =	sdelay $0x1  }
0xa1: {  	s23 =	simm.s32 $0x1B8B  }
0xa2: {  	_ =	swait.ge [sflag:s23], $0x1  }
0xa3: {  	[sflag:s23] =	ssyncset.done $0x0  }
0xa4: {  	s25 =	simm.s32 $0x1B8E;
	s24 =	sld [smem:$0x3FFE];
	[sflag:s23] =	ssyncadd.s32 $0xFFFFFFFF  }
0xa5: {  	s26 =	simm.s32 $execute0_lowered;
	[smem:$0x3FD2] =	sst s25  }
0xa6: {  	s4 =	sshll.u32 s26, $0x1;
	_ =	strace $0x80000046;
	[dreg:$0x1] =	wrdreg $0xFFFFFFFF  }
0xa7: {  	s28 =	simm.s32 $_size_execute0_lowered;
	s2 =	sadd.s32 s2, s4;
	[dreg:$0x0] =	wrdreg $0x0  }
0xa8: {  	s4 =	sshll.u32 s28, $0x1;
	[dreg:$0x2] =	wrdreg s2  }
0xa9: {  	[dreg:$0x3] =	wrdreg s4  }
0xaa: {  	[dreg:$0x4] =	wrdreg $0xC0  }
0xab: {  	_ =	task [dreg:s6], $0x5FFFF  }
0xac: {  	[dreg:$0x1] =	wrdreg $0xFFFFFFFF  }
0xad: {  	[dreg:$0x0] =	wrdreg $0x60  }
0xae: {  	[dreg:$0x2] =	wrdreg s24  }
0xaf: {  	[dreg:$0x3] =	wrdreg $0x9  }
0xb0: {  	_ =	task.clear_ibuf [dreg:s6], $0x4FFFF;
	_ =	strace $0x90000046  }
0xb1: {  	s29 =	simm.s32 $0x9;
	_ =	strace $0x80000048  }
0xb2: {  	_ =	swait.ge [sflag:s29], $0x1  }
0xb3: {  	[sflag:s29] =	ssyncadd.s32 $0xFFFFFFFF  }
0xb4: {  	_ =	strace $0x90000048  }
0xb5: {  	_ =	sfence  }
0xb6: {  	s30 =	sld [smem:$0x0];
	_ =	sdelay $0x2  }
0xb7: {  	s31 =	sshll.u32 s1, $0xD;
	s1 =	sshrl.u32 s1, $0x2  }
0xb8: {  	s3 =	sand.u32 $0x4000, s31;
	s1 =	sadd.s32 s1, s30  }
0xb9: {  	s0 =	sor.u32 s3, s0;
	s1 =	sshll.u32 s1, $0x11  }
0xba: {  	s0 =	sor.u32 s1, s0  }
0xbb: {  	s0 =	sadd.s32 $0x8F2B, s0  }
0xbc: {  	[sflag:s0] =	ssyncadd.remote.s32 $0x1  }
0xbd: {  	_ =	sfence.sel $0xFFFF  }
0xbe: {  	[dreg:$0x0] =	wrdreg $0xFFFFFFFF;
	(pc) =	sbr.abs _section_cstart, $3  }
0xbf: {  	[dreg:$0x1] =	wrdreg $0xFFFFFFFF  }
0xc0: {  	_ =	task.clear_ibuf [dreg:s6], $0x2FFFF;
	_ =	strace $0x9FFFFFFF  }
0xc1: {  	(tm) =	ssettm $0x7FFFFFFF  }
tec
execute0_lowered:
.L_overlay_start_1:
0x0: {  	(tag) =	ssettag $0x1  }
0x1: {  	s3 =	rddreg [dreg:$0x0]  }
0x2: {  	s0 =	rddreg [dreg:$0x1];
	s2 =	simm.s32 $0x0;
	s4 =	srdreg.scid  }
0x3: {  	s1 =	stileid.u32;
	s9 =	simm.s32 $0x2780;
	s4 =	sand.u32 $0x1, s4  }
0x4: {  	s5 =	sshrl.u32 s1, $0x2;
	s6 =	sshll.u32 s1, $0x8;
	[smem:$0x7FF] =	sst s2  }
0x5: {  	s7 =	sshll.u32 s4, $0x7;
	s6 =	sand.u32 $0x300, s6;
	s8 =	smul.u32 $0x13C00, s5  }
0x6: {  	s5 =	smul.u32 $0x14000, s5;
	s4 =	ssub.s32 $0x2, s4;
	s6 =	sor.u32 s7, s6  }
0x7: {  	_ =	strace $0x80000047;
	s31 =	sshrl.u32 s4, $0x1;
	s7 =	sor.u32 s8, s6  }
0x8: {  	s5 =	sor.u32 s5, s6;
	s6 =	simm.s32 $0x80;
	s7 =	sshrl.u32 s7, $0x3  }
0x9: {  	s8 =	simm.s32 $0x1;
	s5 =	sshrl.u32 s5, $0x3;
	s30 =	sadd.s32 s7, s3  }
0xa: {  	s5 =	sadd.s32 s5, s3;
	s7 =	ssub.s32 s4, s31;
	s3 =	sadd.s32 $0x1A00, s30  }
0xb: {  	v0 =	vimm.f32 $0.0e+00;
	v1 =	vimm.f32 $1.000000000e+00;
	s4 =	sadd.s32 $0xB800, s5;
	s5 =	smax.u32 s7, $0x1;
	s7 =	simm.s32 $0x400  }
.LBB2_1:
0xc: {  	s10 =	simm.s32 $0x40;
	s11 =	simm.s32 $0x0  }
.LBB2_2:
0xd: {  	p0 =	sne.s32 s10, $0x9FC0;
	[tilespmem:s11+$0x2780] =	vst v0;
	s11 =	smov.u32 s10;
	s10 =	sadd.s32 $0x40, s10  }
.Ltmp0:
0xe: {  	(pc) =	sbr.rel @p0 .LBB2_2-.Ltmp0, $2  }
0xf: {  	_ =	sdelay $0x2  }
0x10: {  	s11 =	sshra.s32 s11, $0x2  }
0x11: {  	[tilespmem:s11+$0x2780] =	vst v0;
	s10 =	simm.s32 $0x0  }
0x12: {  	[tilespmem:s10], [sflag:$0x1] =	stream.strided.gather [hbm4b:s3+s6], $0x2780, s7, s6, $0x38;
	[tilespmem:$0x4F80] =	vst v63  }
0x13: {  	_ =	swait.ge [sflag:s8], $0x2780  }
0x14: {  	[sflag:s8] =	ssyncset.done $0x0  }
0x15: {  	s11 =	simm.s32 $0x0;
	s10 =	simm.s32 $0x40;
	[sflag:s8] =	ssyncadd.s32 $0xFFFFD880  }
.LBB2_4:
0x16: {  	p0 =	sne.s32 s10, $0x9C00;
	v2 =	vld [tilespmem:s11+$0x0];
	_ =	sdelay $0x3  }
.Ltmp1:
0x17: {  	(pc) =	sbr.rel @p0 .LBB2_4-.Ltmp1, $2  }
0x18: {  	_ =	sdelay $0x2  }
0x19: {  	s11 =	sshra.s32 s10, $0x2;
	s10 =	sadd.s32 $0x40, s10;
	[tilespmem:v2+s9+$0x0] =	vst.idx.add.f32.msk $0xffff, v1  }
0x1a: {  	v2 =	vld [tilespmem:s11+$0x0];
	_ =	sdelay $0x5  }
0x1b: {  	s2 =	sadd.s32 $0x1, s2  }
0x1c: {  	p0 =	sne.s32 s2, s5  }
.Ltmp2:
0x1d: {  	[tilespmem:v2+s9+$0x0] =	vst.idx.add.f32.msk $0xffff, v1;
	(pc) =	sbr.rel @p0 .LBB2_1-.Ltmp2, $4  }
0x1e: {  	[hbm4b:s4+s6] =	stream.strided.scatter [tilespmem:s9], [sflag:$0x1], $0x2800, s7, s6, $0x38;
	[tilespmem:$0x4F80] =	vst v63  }
0x1f: {  	_ =	swait.ge [sflag:s8], $0x2800  }
0x20: {  	[sflag:s8] =	ssyncset.done $0x0  }
0x21: {  	[sflag:s8] =	ssyncadd.s32 $0xFFFFD800  }
0x22: {  	_ =	sfence.sel $0x180000  }
0x23: {  	[bflag:$0x0] =	sbarrier.arrive $0xFFFF  }
0x24: {  	p0 =	sne.s32 s1, $0x0;
	_ =	strace $0x90000047  }
0x25: {  	s0 =	sadd.s32 @!p0 $0x100000, s0;
	[bflag:$0x2] =	sbarrier.arrive $0xFFFF  }
0x26: {  	[sflag:s0] =	ssyncadd.tile.s32 @!p0 $0x1;
	_ =	shalt  }
.Lfunc_end2:
_tile_overlayer_lowered:
.L_overlay_start_2:
0x27: {  	(tag) =	ssettag $0x2  }
0x28: {  	s0 =	rddreg [dreg:$0x0];
	s2 =	stileid.u32  }
0x29: {  	s1 =	rddreg [dreg:$0x1];
	p0 =	sne.s32 s2, $0x0  }
0x2a: {  	s3 =	rddreg [dreg:$0x2];
	[bflag:$0x3] =	sbarrier.arrive $0xFFFF;
	s2 =	simm.s32 @!p0 $0x1C01  }
0x2b: {  	[timem:s3], [sflag:s2] =	dma.local @!p0 [hbm:s0], s1  }
0x2c: {  	s0 =	simm.s32 @!p0 $0x1  }
0x2d: {  	_ =	swait.ge @!p0 [sflag:s0], s1  }
0x2e: {  	s1 =	ssub.s32 @!p0 $0x0, s1;
	[sflag:s0] =	ssyncset.done @!p0 $0x0  }
0x2f: {  	[sflag:s0] =	ssyncadd.s32 @!p0 s1  }
0x30: {  	[bflag:$0x3] =	sbarrier.arrive $0xFFFF  }
0x31: {  	_ =	shalt  }

// kernel: kernel.9.cloned.1.call-start
scs
__scs_entry_jumppad:
0x0: {  	(pc) =	sbr.rel $0x88, $3  }
0x1: {  	(tag) =	ssettag $0x0;
	lr =	simm.s32 $0x1  }
0x2: {  	[smem:$0x3F9D] =	sst lr;
	_ =	strace $0xD0000000  }
0x3: {  	_ = 	snop  }
0x4: {  	_ = 	snop  }
0x5: {  	_ = 	snop  }
0x6: {  	_ = 	snop  }
0x7: {  	_ = 	snop  }
__scs_overlays_trampoline_lowered:
0x8: {  	[smem:$0x3FAC] =	sst s0  }
0x9: {  	[smem:$0x3FAD] =	sst s1  }
0xa: {  	[smem:$0x3FAE] =	sst s2  }
0xb: {  	[smem:$0x3FAF] =	sst s3  }
0xc: {  	[smem:$0x3FB0] =	sst s4  }
0xd: {  	[smem:$0x3FB1] =	sst s5  }
0xe: {  	[smem:$0x3FB2] =	sst s6  }
0xf: {  	[smem:$0x3FB3] =	sst s7  }
0x10: {  	[smem:$0x3FB4] =	sst s8  }
0x11: {  	[smem:$0x3FB5] =	sst s9;
	s0 =	simm.s32 @!p0 $0x0  }
0x12: {  	s1 =	sld [smem:$0x3F9B];
	s0 =	simm.s32 @p0 $0x1  }
0x13: {  	[smem:$0x3FB6] =	sst s0;
	s0 =	simm.s32 @!p1 $0x0  }
0x14: {  	s2 =	sld [smem:$0x3F9A];
	s0 =	simm.s32 @p1 $0x1  }
0x15: {  	[smem:$0x3FB7] =	sst s0;
	s0 =	simm.s32 @!p2 $0x0  }
0x16: {  	s3 =	sld [smem:$0x3FDB];
	s0 =	simm.s32 @p2 $0x1  }
0x17: {  	s4 =	simm.s32 $0x1BF5;
	[smem:$0x3FB9] =	sst s0  }
0x18: {  	s0 =	sld [smem:$0x3F9C];
	_ =	swait.ge [sflag:s4], $0x0  }
0x19: {  	s7 =	sld [smem:$0x3F9D]  }
0x1a: {  	s8 =	sadd.s32 $0xFFFFE003, lr  }
0x1b: {  	s9 =	sadd.s32 $0xFFFFFEF7, lr;
	s5 =	simm.s32 $0xFFFFFFFF;
	p2 =	slt.u32 s8, $0xFFFFF086  }
0x1c: {  	p1 =	slt.u32 s9, $0xF7A;
	s5 =	simm.s32 @!p2 $0x0  }
0x1d: {  	s5 =	simm.s32 @p1 $0x1;
	p0 =	seq.s32 s7, s2  }
0x1e: {  	s7 =	smul.u32 @!p0 $0xF7A, s2;
	p2 =	seq.s32 @!p0 s5, $0x0  }
0x1f: {  	s9 =	smul.u32 $0xF7A, s1;
	s8 =	simm.s32 @!p0 $0x1BF5;
	p2 =	por !p2, p0  }
0x20: {  	[sflag:s8] =	ssyncset.s32 @!p0 $0xFFFFF086;
	s6 =	sadd.s32 @!p0 s3, s7;
	s7 =	simm.s32 @!p0 $0x108  }
0x21: {  	s3 =	sadd.s32 s3, s9;
	s6 =	sadd.s32 @!p0 $0x88, s6;
	s7 =	simm.s32 @p2 $0x1082  }
0x22: {  	[simem:s7], [sflag:s8] =	dma.local @!p0 [hbm:s6], $0xF7A  }
0x23: {  	s9 =	sor.u32 $0xD0000000, s2;
	s6 =	simm.s32 $0x108;
	_ =	swait.ge @!p0 [sflag:s8], $0x0  }
0x24: {  	s3 =	sadd.s32 $0x88, s3;
	s6 =	simm.s32 @!p1 $0x1082;
	[sflag:s4] =	ssyncset.s32 $0xFFFFF086  }
0x25: {  	[simem:s6], [sflag:s4] =	dma.local [hbm:s3], $0xF7A  }
0x26: {  	[smem:$0x3F9D] =	sst s1;
	(tag) =	ssettag s2;
	_ =	strace s9  }
0x27: {  	s1 =	sld [smem:$0x3FAD]  }
0x28: {  	s2 =	sld [smem:$0x3FAE]  }
0x29: {  	s4 =	sld [smem:$0x3FB0]  }
0x2a: {  	p0 =	seq.s32 s5, $0x0;
	s5 =	sld [smem:$0x3FB1]  }
0x2b: {  	s6 =	sld [smem:$0x3FB2]  }
0x2c: {  	s7 =	sld [smem:$0x3FB3]  }
0x2d: {  	s3 =	simm.s32 $0x108;
	s8 =	sld [smem:$0x3FB4]  }
0x2e: {  	s3 =	simm.s32 @!p0 $0x1082;
	s9 =	sld [smem:$0x3FB5]  }
0x2f: {  	lr =	sadd.s32 s0, s3;
	s0 =	sld [smem:$0x3FAC]  }
0x30: {  	s3 =	sld [smem:$0x3FAF]  }
0x31: {  	[smem:$0x3FB8] =	sst s10  }
0x32: {  	s10 =	sld [smem:$0x3FB6];
	_ =	sdelay $0x3  }
0x33: {  	p0 =	seq.s32 s10, $0x1;
	s10 =	sld [smem:$0x3FB8];
	_ =	sdelay $0x3  }
0x34: {  	[smem:$0x3FB8] =	sst s10  }
0x35: {  	s10 =	sld [smem:$0x3FB7];
	_ =	sdelay $0x3  }
0x36: {  	p1 =	seq.s32 s10, $0x1;
	s10 =	sld [smem:$0x3FB8];
	_ =	sdelay $0x3  }
0x37: {  	[smem:$0x3FB8] =	sst s10  }
0x38: {  	s10 =	sld [smem:$0x3FB9]  }
0x39: {  	_ = 	snop;
	(pc) =	sbr.ind lr, $3  }
0x3a: {  	_ = 	snop  }
0x3b: {  	_ = 	snop  }
0x3c: {  	p2 =	seq.s32 s10, $0x1;
	s10 =	sld [smem:$0x3FB8]  }
0x3d: {  	_ =	shalt  }
0x3e: {  	_ =	shalt  }
0x3f: {  	_ =	shalt  }
0x40: {  	_ =	shalt  }
0x41: {  	_ =	shalt  }
0x42: {  	_ =	shalt  }
0x43: {  	_ =	shalt  }
0x44: {  	_ =	shalt  }
0x45: {  	_ =	shalt  }
0x46: {  	_ =	shalt  }
0x47: {  	_ =	shalt  }
0x48: {  	_ =	shalt  }
0x49: {  	_ =	shalt  }
0x4a: {  	_ =	shalt  }
0x4b: {  	_ =	shalt  }
0x4c: {  	_ =	shalt  }
0x4d: {  	_ =	shalt  }
0x4e: {  	_ =	shalt  }
0x4f: {  	_ =	shalt  }
0x50: {  	_ =	shalt  }
0x51: {  	_ =	shalt  }
0x52: {  	_ =	shalt  }
0x53: {  	_ =	shalt  }
0x54: {  	_ =	shalt  }
0x55: {  	_ =	shalt  }
0x56: {  	_ =	shalt  }
0x57: {  	_ =	shalt  }
0x58: {  	_ =	shalt  }
0x59: {  	_ =	shalt  }
0x5a: {  	_ =	shalt  }
0x5b: {  	_ =	shalt  }
0x5c: {  	_ =	shalt  }
0x5d: {  	_ =	shalt  }
0x5e: {  	_ =	shalt  }
0x5f: {  	_ =	shalt  }
0x60: {  	_ =	shalt  }
0x61: {  	_ =	shalt  }
0x62: {  	_ =	shalt  }
0x63: {  	_ =	shalt  }
0x64: {  	_ =	shalt  }
0x65: {  	_ =	shalt  }
0x66: {  	_ =	shalt  }
0x67: {  	_ =	shalt  }
0x68: {  	_ =	shalt  }
0x69: {  	_ =	shalt  }
0x6a: {  	_ =	shalt  }
0x6b: {  	_ =	shalt  }
0x6c: {  	_ =	shalt  }
0x6d: {  	_ =	shalt  }
0x6e: {  	_ =	shalt  }
0x6f: {  	_ =	shalt  }
0x70: {  	_ =	shalt  }
0x71: {  	_ =	shalt  }
0x72: {  	_ =	shalt  }
0x73: {  	_ =	shalt  }
0x74: {  	_ =	shalt  }
0x75: {  	_ =	shalt  }
0x76: {  	_ =	shalt  }
0x77: {  	_ =	shalt  }
0x78: {  	_ =	shalt  }
0x79: {  	_ =	shalt  }
0x7a: {  	_ =	shalt  }
0x7b: {  	_ =	shalt  }
0x7c: {  	_ =	shalt  }
0x7d: {  	_ =	shalt  }
0x7e: {  	_ =	shalt  }
0x7f: {  	_ =	shalt  }
0x80: {  	_ =	shalt  }
0x81: {  	_ =	shalt  }
0x82: {  	_ =	shalt  }
0x83: {  	_ =	shalt  }
0x84: {  	_ =	shalt  }
0x85: {  	_ =	shalt  }
0x86: {  	_ =	shalt  }
0x87: {  	_ =	shalt  }
.Lfunc_end0:
.L_simem_size_0:
called_computation.1_lowered:
.L_overlay_start_0:
0x88: {  	s2 =	sld [smem:$0x3FD9]  }
0x89: {  	s3 =	sld [smem:$0x3FFE];
	_ =	sdelay $0x1  }
0x8a: {  	s1 =	srdreg.scid  }
0x8b: {  	s0 =	sand.u32 $0x1, s1  }
0x8c: {  	s17 =	sshll.u32 s0, $0xA;
	s2 =	sadd.s32 s3, s2  }
0x8d: {  	s2 =	sadd.s32 s2, s17  }
0x8e: {  	[smem:$0x3FC4] =	sst s2  }
0x8f: {  	_ = 	snop  }
0x90: {  	s2 =	sld [smem:$0x3FD0];
	(tm) =	ssettm $0x1  }
0x91: {  	s18 =	sld [smem:$0x3FFB];
	_ =	sdelay $0x3  }
0x92: {  	_ =	strace s18  }
0x93: {  	s3 =	sld [smem:$0x3FFC];
	_ =	sdelay $0x3  }
0x94: {  	_ =	strace s3  }
0x95: {  	s3 =	sld [smem:$0x3FFD];
	_ =	sdelay $0x3  }
0x96: {  	_ =	strace s3  }
0x97: {  	_ =	strace $0x8FFFFFFF  }
0x98: {  	s19 =	sld [smem:$0x3FDB];
	_ =	sdelay $0x1  }
0x99: {  	s4 =	simm.s32 $_scs_section_size  }
0x9a: {  	s5 =	simm.s32 $_size__tile_overlayer_lowered;
	s6 =	simm.s32 $_tile_overlayer_lowered  }
0x9b: {  	s22 =	simm.s32 $0x1BFF;
	s21 =	sshll.u32 s6, $0x1;
	s3 =	sadd.s32 s4, s19  }
0x9c: {  	s7 =	simm.s32 $0x0;
	s20 =	sshll.u32 s5, $0x1;
	s5 =	sadd.s32 s21, s3  }
0x9d: {  	[timem:s7], [sflag:s22] =	dma.local [hbm:s5], s20  }
0x9e: {  	_ =	swait.ge [sflag:s22], s20  }
0x9f: {  	s4 =	ssub.s32 $0x0, s20;
	[sflag:s22] =	ssyncset.done $0x0  }
0xa0: {  	[sflag:s22] =	ssyncadd.s32 s4;
	_ =	sdelay $0x1  }
0xa1: {  	s23 =	simm.s32 $0x1B8B  }
0xa2: {  	_ =	swait.ge [sflag:s23], $0x1  }
0xa3: {  	[sflag:s23] =	ssyncset.done $0x0  }
0xa4: {  	s25 =	simm.s32 $0x1B8E;
	s24 =	sld [smem:$0x3FFE];
	[sflag:s23] =	ssyncadd.s32 $0xFFFFFFFF  }
0xa5: {  	s26 =	simm.s32 $execute0_lowered;
	[smem:$0x3FD2] =	sst s25  }
0xa6: {  	s5 =	sshll.u32 s26, $0x1;
	_ =	strace $0x80000049;
	[dreg:$0x1] =	wrdreg $0xFFFFFFFF  }
0xa7: {  	s28 =	simm.s32 $_size_execute0_lowered;
	s3 =	sadd.s32 s3, s5;
	[dreg:$0x0] =	wrdreg $0x0  }
0xa8: {  	s5 =	sshll.u32 s28, $0x1;
	[dreg:$0x2] =	wrdreg s3  }
0xa9: {  	[dreg:$0x3] =	wrdreg s5  }
0xaa: {  	[dreg:$0x4] =	wrdreg $0xC0  }
0xab: {  	_ =	task [dreg:s7], $0x5FFFF  }
0xac: {  	[dreg:$0x1] =	wrdreg $0xFFFFFFFF  }
0xad: {  	[dreg:$0x0] =	wrdreg $0x60  }
0xae: {  	[dreg:$0x2] =	wrdreg s24  }
0xaf: {  	[dreg:$0x3] =	wrdreg s2  }
0xb0: {  	[dreg:$0x4] =	wrdreg $0xA8000  }
0xb1: {  	[dreg:$0x5] =	wrdreg $0x9  }
0xb2: {  	_ =	task.clear_ibuf [dreg:s7], $0x6FFFF;
	_ =	strace $0x90000049  }
0xb3: {  	s29 =	simm.s32 $0x9;
	_ =	strace $0x8000004B  }
0xb4: {  	_ =	swait.ge [sflag:s29], $0x1  }
0xb5: {  	[sflag:s29] =	ssyncadd.s32 $0xFFFFFFFF  }
0xb6: {  	_ =	strace $0x9000004B  }
0xb7: {  	_ =	sfence  }
0xb8: {  	s30 =	sld [smem:$0x0];
	_ =	sdelay $0x2  }
0xb9: {  	s31 =	sshll.u32 s1, $0xD;
	s1 =	sshrl.u32 s1, $0x2  }
0xba: {  	s3 =	sand.u32 $0x4000, s31;
	s1 =	sadd.s32 s1, s30  }
0xbb: {  	s0 =	sor.u32 s3, s0;
	s1 =	sshll.u32 s1, $0x11  }
0xbc: {  	s0 =	sor.u32 s1, s0  }
0xbd: {  	s0 =	sadd.s32 $0x8F2B, s0  }
0xbe: {  	[sflag:s0] =	ssyncadd.remote.s32 $0x1  }
0xbf: {  	_ =	sfence.sel $0xFFFF  }
0xc0: {  	[dreg:$0x0] =	wrdreg $0xFFFFFFFF;
	(pc) =	sbr.abs _section_cstart, $3  }
0xc1: {  	[dreg:$0x1] =	wrdreg $0xFFFFFFFF  }
0xc2: {  	_ =	task.clear_ibuf [dreg:s7], $0x2FFFF;
	_ =	strace $0x9FFFFFFF  }
0xc3: {  	(tm) =	ssettm $0x7FFFFFFF  }
tec
execute0_lowered:
.L_overlay_start_1:
0x0: {  	(tag) =	ssettag $0x1  }
0x1: {  	s5 =	rddreg [dreg:$0x0]  }
0x2: {  	s14 =	rddreg [dreg:$0x1]  }
0x3: {  	s0 =	srdreg.scid;
	s2 =	rddreg [dreg:$0x2]  }
0x4: {  	s1 =	stileid.u32;
	s3 =	simm.s32 $0x0;
	s19 =	simm.s32 $0x2  }
0x5: {  	s20 =	simm.s32 $0x7D;
	s21 =	simm.s32 $0x1;
	s22 =	simm.s32 $0x2780  }
0x6: {  	s6 =	sand.u32 $0x1, s0;
	s0 =	rddreg [dreg:$0x3];
	s7 =	smul.u32 $0x13C00, s1  }
0x7: {  	s23 =	simm.s32 $0x6800;
	[smem:$0x7FF] =	sst s3;
	s8 =	smul.u32 $0x4F000, s1  }
0x8: {  	s15 =	sadd.s32 $0x15800, s5;
	s28 =	sshll.u32 s1, $0x1;
	s4 =	smul.u32 $0x140000, s6  }
0x9: {  	_ =	strace $0x8000004A;
	s29 =	ssub.s32 $0x2, s6;
	s6 =	sor.u32 s6, s28  }
0xa: {  	s30 =	sshrl.u32 s8, $0x2;
	s31 =	sshrl.u32 s29, $0x1;
	s10 =	smul.u32 $0x2800, s6  }
0xb: {  	s7 =	sadd.s32 s7, s4;
	s4 =	sadd.s32 $0x1F800, s5;
	s17 =	ssub.s32 s29, s31  }
0xc: {  	s7 =	sshrl.u32 s7, $0x3;
	s13 =	sshrl.u32 s10, $0x3;
	s17 =	smax.u32 s17, $0x1  }
0xd: {  	s16 =	sadd.s32 s7, s5;
	s5 =	sadd.s32 s30, s2;
	s18 =	sadd.s32 $0x280, s13  }
0xe: {  	s12 =	sadd.s32 s14, s13;
	s13 =	sadd.s32 s15, s13;
	s6 =	sadd.s32 $0x3400, s5  }
0xf: {  	s7 =	sadd.s32 $0x6800, s5;
	s8 =	sadd.s32 $0x9C00, s5;
	s9 =	sadd.s32 $0xD000, s5  }
0x10: {  	s10 =	sadd.s32 $0x10400, s5;
	s11 =	sadd.s32 $0x13800, s5;
	s14 =	sadd.s32 s14, s18  }
0x11: {  	v0 =	vimm.f32 $0.0e+00;
	s15 =	sadd.s32 s15, s18;
	s16 =	sadd.s32 $0x47800, s16;
	s18 =	simm.s32 $0x2800  }
.LBB2_1:
0x12: {  	s24 =	simm.s32 $0x0;
	s25 =	simm.s32 $0x200  }
.LBB2_2:
0x13: {  	p0 =	sne.s32 s25, $0xCE00;
	[tilespmem:s24+$0x2870] =	vst v0  }
0x14: {  	[tilespmem:s24+$0x2800] =	vst v0  }
0x15: {  	[tilespmem:s24+$0x2810] =	vst v0  }
.Ltmp0:
0x16: {  	[tilespmem:s24+$0x2820] =	vst v0;
	(pc) =	sbr.rel @p0 .LBB2_2-.Ltmp0, $4  }
0x17: {  	[tilespmem:s24+$0x2830] =	vst v0  }
0x18: {  	[tilespmem:s24+$0x2840] =	vst v0  }
0x19: {  	[tilespmem:s24+$0x2850] =	vst v0  }
0x1a: {  	[tilespmem:s24+$0x2860] =	vst v0;
	s24 =	sshra.s32 s25, $0x2;
	s25 =	sadd.s32 $0x200, s25  }
0x1b: {  	[tilespmem:s24+$0x2870] =	vst v0  }
0x1c: {  	[tilespmem:s24+$0x2800] =	vst v0  }
0x1d: {  	[tilespmem:s24+$0x2810] =	vst v0  }
0x1e: {  	[tilespmem:s24+$0x2820] =	vst v0  }
0x1f: {  	[tilespmem:s24+$0x2830] =	vst v0  }
0x20: {  	[tilespmem:s24+$0x2840] =	vst v0  }
0x21: {  	[tilespmem:s24+$0x2850] =	vst v0  }
0x22: {  	[tilespmem:s24+$0x2860] =	vst v0  }
0x23: {  	[spmem:s5] =	stream.linear.scatter [tilespmem:s18], [sflag:$0x2], $0x3400, $0x38;
	[tilespmem:$0x1E400] =	vst v63  }
0x24: {  	_ =	swait.ge [sflag:s19], $0x3400  }
0x25: {  	[sflag:s19] =	ssyncset.done $0x0  }
0x26: {  	[sflag:s19] =	ssyncadd.s32 $0xFFFFCC00  }
0x27: {  	[spmem:s6] =	stream.linear.scatter [tilespmem:s18], [sflag:$0x2], $0x3400, $0x38;
	[tilespmem:$0x1E400] =	vst v63  }
0x28: {  	_ =	swait.ge [sflag:s19], $0x3400  }
0x29: {  	[sflag:s19] =	ssyncset.done $0x0  }
0x2a: {  	[sflag:s19] =	ssyncadd.s32 $0xFFFFCC00  }
0x2b: {  	[spmem:s7] =	stream.linear.scatter [tilespmem:s18], [sflag:$0x2], $0x3400, $0x38;
	[tilespmem:$0x1E400] =	vst v63  }
0x2c: {  	_ =	swait.ge [sflag:s19], $0x3400  }
0x2d: {  	[sflag:s19] =	ssyncset.done $0x0  }
0x2e: {  	[sflag:s19] =	ssyncadd.s32 $0xFFFFCC00  }
0x2f: {  	[spmem:s8] =	stream.linear.scatter [tilespmem:s18], [sflag:$0x2], $0x3400, $0x38;
	[tilespmem:$0x1E400] =	vst v63  }
0x30: {  	_ =	swait.ge [sflag:s19], $0x3400  }
0x31: {  	[sflag:s19] =	ssyncset.done $0x0  }
0x32: {  	[sflag:s19] =	ssyncadd.s32 $0xFFFFCC00  }
0x33: {  	[spmem:s9] =	stream.linear.scatter [tilespmem:s18], [sflag:$0x2], $0x3400, $0x38;
	[tilespmem:$0x1E400] =	vst v63  }
0x34: {  	_ =	swait.ge [sflag:s19], $0x3400  }
0x35: {  	[sflag:s19] =	ssyncset.done $0x0  }
0x36: {  	[sflag:s19] =	ssyncadd.s32 $0xFFFFCC00  }
0x37: {  	[spmem:s10] =	stream.linear.scatter [tilespmem:s18], [sflag:$0x2], $0x3400, $0x38;
	[tilespmem:$0x1E400] =	vst v63  }
0x38: {  	_ =	swait.ge [sflag:s19], $0x3400  }
0x39: {  	[sflag:s19] =	ssyncset.done $0x0  }
0x3a: {  	[sflag:s19] =	ssyncadd.s32 $0xFFFFCC00  }
0x3b: {  	[spmem:s11] =	stream.linear.scatter [tilespmem:s18], [sflag:$0x2], $0x400, $0x38;
	[tilespmem:$0x1E400] =	vst v63  }
0x3c: {  	_ =	swait.ge [sflag:s19], $0x400  }
0x3d: {  	[sflag:s19] =	ssyncset.done $0x0  }
0x3e: {  	[sflag:s19] =	ssyncadd.s32 $0xFFFFFC00  }
0x3f: {  	s25 =	simm.s32 $0x0;
	[bflag:$0x0] =	sbarrier.arrive $0xFFFF  }
0x40: {  	[tilespmem:s25], [sflag:$0x2] =	stream.linear.gather [hbm4b:s12+s25], $0x1400, $0x38;
	[tilespmem:$0x1E400] =	vst v63  }
0x41: {  	_ =	swait.ge [sflag:s19], $0x1400  }
0x42: {  	[sflag:s19] =	ssyncset.done $0x0  }
0x43: {  	s24 =	simm.s32 $0x1400;
	[sflag:s19] =	ssyncadd.s32 $0xFFFFEC00  }
0x44: {  	[tilespmem:s24], [sflag:$0x2] =	stream.linear.gather [hbm4b:s13+s25], $0x1400, $0x38;
	[tilespmem:$0x1E400] =	vst v63  }
0x45: {  	_ =	swait.ge [sflag:s19], $0x1400  }
0x46: {  	[sflag:s19] =	ssyncset.done $0x0  }
0x47: {  	[sflag:s19] =	ssyncadd.s32 $0xFFFFEC00  }
0x48: {  	[tilespmem:s18], [sflag:$0x1] =	stream.indirect.gather [hbm4b:s4+s20], $0x80, s25, s20, $0xb8;
	[tilespmem:$0x1E400] =	vst v63  }
0x49: {  	s31 =	simm.s32 $0x0;
	_ =	swait.ge [sflag:s21], $0x3E80  }
0x4a: {  	s25 =	sand.u32 $0x4000, s31;
	[sflag:s21] =	ssyncset.done $0x0  }
0x4b: {  	s28 =	simm.s32 $0x80;
	s26 =	sxor.u32 $0x6800, s25;
	[sflag:s21] =	ssyncadd.s32 $0xFFFFC180  }
0x4c: {  	[tilespmem:s26], [sflag:$0x1] =	stream.indirect.gather [hbm4b:s4+s20], $0x80, s28, s20, $0xb8;
	[tilespmem:$0x1E400] =	vst v63  }
0x4d: {  	s25 =	sor.u32 $0x2800, s25  }
0x4e: {  	[spmem:s2] =	stream.indirect.scatter.add.f32 [tilespmem:s25], [sflag:$0x2], $0x80, s24, s20, $0xb8;
	[tilespmem:$0x1E400] =	vst v63  }
0x4f: {  	_ =	swait.ge [sflag:s19], $0x3E80  }
0x50: {  	s25 =	simm.s32 $0x1;
	[sflag:s19] =	ssyncset.done $0x0  }
.LBB2_4:
0x51: {  	p0 =	sne.s32 s25, $0x26;
	[sflag:s19] =	ssyncadd.s32 $0xFFFFC180;
	s24 =	sadd.s32 $0x80, s24  }
0x52: {  	s26 =	smov.u32 s25;
	s25 =	sadd.s32 $0x1, s25  }
0x53: {  	s26 =	sshll.u32 s26, $0xE;
	_ =	swait.ge [sflag:s21], $0x3E80  }
0x54: {  	s26 =	sand.u32 $0x4000, s26;
	[sflag:s21] =	ssyncset.done $0x0  }
0x55: {  	s29 =	sadd.s32 $0xFFFFEC80, s24;
	s28 =	sxor.u32 $0x6800, s26;
	[sflag:s21] =	ssyncadd.s32 $0xFFFFC180  }
0x56: {  	[tilespmem:s28], [sflag:$0x1] =	stream.indirect.gather [hbm4b:s4+s20], $0x80, s29, s20, $0xb8;
	[tilespmem:$0x1E400] =	vst v63  }
.Ltmp1:
0x57: {  	_ = 	snop;
	(pc) =	sbr.rel @p0 .LBB2_4-.Ltmp1, $4  }
0x58: {  	s26 =	sor.u32 $0x2800, s26  }
0x59: {  	[spmem:s2] =	stream.indirect.scatter.add.f32 [tilespmem:s26], [sflag:$0x2], $0x80, s24, s20, $0xb8;
	[tilespmem:$0x1E400] =	vst v63  }
0x5a: {  	_ =	swait.ge [sflag:s19], $0x3E80  }
0x5b: {  	[sflag:s19] =	ssyncset.done $0x0  }
0x5c: {  	[sflag:s19] =	ssyncadd.s32 $0xFFFFC180  }
0x5d: {  	_ =	swait.ge [sflag:s21], $0x3E80  }
0x5e: {  	[sflag:s21] =	ssyncset.done $0x0  }
0x5f: {  	[sflag:s21] =	ssyncadd.s32 $0xFFFFC180  }
0x60: {  	[spmem:s2] =	stream.indirect.scatter.add.f32 [tilespmem:s23], [sflag:$0x2], $0x80, s22, s20, $0xb8;
	[tilespmem:$0x1E400] =	vst v63  }
0x61: {  	_ =	swait.ge [sflag:s19], $0x3E80  }
0x62: {  	[sflag:s19] =	ssyncset.done $0x0  }
0x63: {  	s25 =	simm.s32 $0x0;
	[sflag:s19] =	ssyncadd.s32 $0xFFFFC180  }
0x64: {  	[tilespmem:s25], [sflag:$0x2] =	stream.linear.gather [hbm4b:s14+s25], $0x1400, $0x38;
	[tilespmem:$0x1E400] =	vst v63  }
0x65: {  	_ =	swait.ge [sflag:s19], $0x1400  }
0x66: {  	[sflag:s19] =	ssyncset.done $0x0  }
0x67: {  	s24 =	simm.s32 $0x1400;
	[sflag:s19] =	ssyncadd.s32 $0xFFFFEC00  }
0x68: {  	[tilespmem:s24], [sflag:$0x2] =	stream.linear.gather [hbm4b:s15+s25], $0x1400, $0x38;
	[tilespmem:$0x1E400] =	vst v63  }
0x69: {  	_ =	swait.ge [sflag:s19], $0x1400  }
0x6a: {  	[sflag:s19] =	ssyncset.done $0x0  }
0x6b: {  	[sflag:s19] =	ssyncadd.s32 $0xFFFFEC00  }
0x6c: {  	[tilespmem:s18], [sflag:$0x1] =	stream.indirect.gather [hbm4b:s4+s20], $0x80, s25, s20, $0xb8;
	[tilespmem:$0x1E400] =	vst v63  }
0x6d: {  	s31 =	simm.s32 $0x0;
	_ =	swait.ge [sflag:s21], $0x3E80  }
0x6e: {  	s25 =	sand.u32 $0x4000, s31;
	[sflag:s21] =	ssyncset.done $0x0  }
0x6f: {  	s28 =	simm.s32 $0x80;
	s26 =	sxor.u32 $0x6800, s25;
	[sflag:s21] =	ssyncadd.s32 $0xFFFFC180  }
0x70: {  	[tilespmem:s26], [sflag:$0x1] =	stream.indirect.gather [hbm4b:s4+s20], $0x80, s28, s20, $0xb8;
	[tilespmem:$0x1E400] =	vst v63  }
0x71: {  	s25 =	sor.u32 $0x2800, s25  }
0x72: {  	[spmem:s2] =	stream.indirect.scatter.add.f32 [tilespmem:s25], [sflag:$0x2], $0x80, s24, s20, $0xb8;
	[tilespmem:$0x1E400] =	vst v63  }
0x73: {  	_ =	swait.ge [sflag:s19], $0x3E80  }
0x74: {  	s25 =	simm.s32 $0x1;
	[sflag:s19] =	ssyncset.done $0x0  }
.LBB2_6:
0x75: {  	p0 =	sne.s32 s25, $0x26;
	[sflag:s19] =	ssyncadd.s32 $0xFFFFC180;
	s24 =	sadd.s32 $0x80, s24  }
0x76: {  	s26 =	smov.u32 s25;
	s25 =	sadd.s32 $0x1, s25  }
0x77: {  	s26 =	sshll.u32 s26, $0xE;
	_ =	swait.ge [sflag:s21], $0x3E80  }
0x78: {  	s26 =	sand.u32 $0x4000, s26;
	[sflag:s21] =	ssyncset.done $0x0  }
0x79: {  	s29 =	sadd.s32 $0xFFFFEC80, s24;
	s28 =	sxor.u32 $0x6800, s26;
	[sflag:s21] =	ssyncadd.s32 $0xFFFFC180  }
0x7a: {  	[tilespmem:s28], [sflag:$0x1] =	stream.indirect.gather [hbm4b:s4+s20], $0x80, s29, s20, $0xb8;
	[tilespmem:$0x1E400] =	vst v63  }
.Ltmp2:
0x7b: {  	_ = 	snop;
	(pc) =	sbr.rel @p0 .LBB2_6-.Ltmp2, $4  }
0x7c: {  	s26 =	sor.u32 $0x2800, s26  }
0x7d: {  	[spmem:s2] =	stream.indirect.scatter.add.f32 [tilespmem:s26], [sflag:$0x2], $0x80, s24, s20, $0xb8;
	[tilespmem:$0x1E400] =	vst v63  }
0x7e: {  	_ =	swait.ge [sflag:s19], $0x3E80  }
0x7f: {  	[sflag:s19] =	ssyncset.done $0x0  }
0x80: {  	[sflag:s19] =	ssyncadd.s32 $0xFFFFC180  }
0x81: {  	_ =	swait.ge [sflag:s21], $0x3E80  }
0x82: {  	[sflag:s21] =	ssyncset.done $0x0  }
0x83: {  	[sflag:s21] =	ssyncadd.s32 $0xFFFFC180  }
0x84: {  	[spmem:s2] =	stream.indirect.scatter.add.f32 [tilespmem:s23], [sflag:$0x2], $0x80, s22, s20, $0xb8;
	[tilespmem:$0x1E400] =	vst v63  }
0x85: {  	_ =	swait.ge [sflag:s19], $0x3E80  }
0x86: {  	s24 =	sshll.u32 s1, $0x6;
	s3 =	sadd.s32 $0x1, s3;
	[sflag:s19] =	ssyncset.done $0x0  }
0x87: {  	s25 =	sshrl.u32 s5, $0x3;
	p0 =	sne.s32 s3, s17;
	[sflag:s19] =	ssyncadd.s32 $0xFFFFC180  }
.Ltmp3:
0x88: {  	s24 =	sor.u32 $0x1C02, s24;
	[bflag:$0x0] =	sbarrier.arrive $0xFFFF;
	(pc) =	sbr.rel @p0 .LBB2_1-.Ltmp3, $4  }
0x89: {  	[hbm:s16], [sflag:s24] =	dma.local [spmem:s25], $0x2780  }
0x8a: {  	_ =	swait.ge [sflag:s19], $0x2780  }
0x8b: {  	[sflag:s19] =	ssyncset.done $0x0  }
0x8c: {  	[sflag:s19] =	ssyncadd.s32 $0xFFFFD880  }
0x8d: {  	_ =	sfence.sel $0x180000  }
0x8e: {  	[bflag:$0x0] =	sbarrier.arrive $0xFFFF  }
0x8f: {  	p0 =	sne.s32 s1, $0x0;
	_ =	strace $0x9000004A  }
0x90: {  	s0 =	sadd.s32 @!p0 $0x100000, s0;
	[bflag:$0x2] =	sbarrier.arrive $0xFFFF  }
0x91: {  	[sflag:s0] =	ssyncadd.tile.s32 @!p0 $0x1;
	_ =	shalt  }
.Lfunc_end2:
_tile_overlayer_lowered:
.L_overlay_start_2:
0x92: {  	(tag) =	ssettag $0x2  }
0x93: {  	s0 =	rddreg [dreg:$0x0];
	s2 =	stileid.u32  }
0x94: {  	s1 =	rddreg [dreg:$0x1];
	p0 =	sne.s32 s2, $0x0  }
0x95: {  	s3 =	rddreg [dreg:$0x2];
	[bflag:$0x3] =	sbarrier.arrive $0xFFFF;
	s2 =	simm.s32 @!p0 $0x1C02  }
0x96: {  	[timem:s3], [sflag:s2] =	dma.local @!p0 [hbm:s0], s1  }
0x97: {  	s0 =	simm.s32 @!p0 $0x2  }
0x98: {  	_ =	swait.ge @!p0 [sflag:s0], s1  }
0x99: {  	s1 =	ssub.s32 @!p0 $0x0, s1;
	[sflag:s0] =	ssyncset.done @!p0 $0x0  }
0x9a: {  	[sflag:s0] =	ssyncadd.s32 @!p0 s1  }
0x9b: {  	[bflag:$0x3] =	sbarrier.arrive $0xFFFF  }
0x9c: {  	_ =	shalt  }

</sc_bundles>
